<compile_context>
chip_gen: v7x
topology: tpu7x:2x2x1
jax: 0.10.2.dev20260603
libtpu: 0.0.44.dev20260713+nightly
codegen_flags: <defaults>
</compile_context>

<pallas_src>
import functools

import jax
import jax.numpy as jnp
from jax import lax
from jax.experimental import pallas as pl
from jax.experimental.pallas import tpu as pltpu
from jax.experimental.pallas import tpu_sc as plsc

N = 10000
E_IN = 160000
D = 128
DA = 4
DF = 8
MID = D * DA
AVG = 16.0

NW = 32
CH = 128
NCH = 40
EPW = CH * NCH
E_PAD = EPW * NW
RPT = N // 16

_mesh = plsc.VectorSubcoreMesh(core_axis_name="c", subcore_axis_name="s")


def _node_body(x_ref, ws_ref, wu_ref, w1a_ref, w1b_ref, ts_ref, tr_ref):
    x = x_ref[...]
    ns = jnp.dot(x, ws_ref[...], preferred_element_type=jnp.float32)
    ts_ref[:, :D] = jnp.dot(ns, w1a_ref[...], preferred_element_type=jnp.float32)
    ts_ref[:, D:] = jnp.dot(x, wu_ref[...], preferred_element_type=jnp.float32)
    tr_ref[...] = jnp.dot(ns, w1b_ref[...], preferred_element_type=jnp.float32)


def _node_precompute(x, ws, wu, w1a, w1b):
    blk = 1000
    grid = N // blk
    full = lambda i: (0, 0)
    return pl.pallas_call(
        _node_body,
        grid=(grid,),
        in_specs=[
            pl.BlockSpec((blk, D), lambda i: (i, 0)),
            pl.BlockSpec((D, D), full),
            pl.BlockSpec((D, D), full),
            pl.BlockSpec((D, D), full),
            pl.BlockSpec((D, D), full),
        ],
        out_specs=[
            pl.BlockSpec((blk, 2 * D), lambda i: (i, 0)),
            pl.BlockSpec((blk, D), lambda i: (i, 0)),
        ],
        out_shape=[
            jax.ShapeDtypeStruct((N, 2 * D), jnp.float32),
            jax.ShapeDtypeStruct((N, D), jnp.float32),
        ],
    )(x, ws, wu, w1a, w1b)


@functools.partial(
    pl.kernel,
    mesh=_mesh,
    out_type=[
        jax.ShapeDtypeStruct((E_PAD, 2 * D), jnp.float32),
        jax.ShapeDtypeStruct((E_PAD, D), jnp.float32),
    ],
    scratch_types=[
        pltpu.VMEM((EPW,), jnp.int32),
        pltpu.VMEM((EPW,), jnp.int32),
        pltpu.VMEM((2, CH, 2 * D), jnp.float32),
        pltpu.VMEM((2, CH, D), jnp.float32),
        pltpu.SemaphoreType.DMA,
        pltpu.SemaphoreType.DMA,
        pltpu.SemaphoreType.DMA,
        pltpu.SemaphoreType.DMA,
        pltpu.SemaphoreType.DMA,
        pltpu.SemaphoreType.DMA,
        pltpu.SemaphoreType.DMA,
        pltpu.SemaphoreType.DMA,
    ],
)
def _gather(ts_hbm, tr_hbm, snd_hbm, rcv_hbm, gs_hbm, gr_hbm,
            idx_s, idx_r, rows_s, rows_r,
            sg0, sg1, sr0, sr1, ws0, ws1, wr0, wr1):
    wid = lax.axis_index("c") * 16 + lax.axis_index("s")
    base = wid * EPW
    pltpu.sync_copy(snd_hbm.at[pl.ds(base, EPW)], idx_s)
    pltpu.sync_copy(rcv_hbm.at[pl.ds(base, EPW)], idx_r)
    sg = (sg0, sg1)
    sr = (sr0, sr1)
    ws = (ws0, ws1)
    wr = (wr0, wr1)

    def body(t, carry):
        g_h, w_h = [], []
        for b in range(2):
            off = (2 * t + b) * CH
            g_h.append(pltpu.async_copy(
                ts_hbm.at[idx_s.at[pl.ds(off, CH)]], rows_s.at[b], sg[b]))
            g_h.append(pltpu.async_copy(
                tr_hbm.at[idx_r.at[pl.ds(off, CH)]], rows_r.at[b], sr[b]))
        for b in range(2):
            off = (2 * t + b) * CH
            g_h[2 * b].wait()
            w_h.append(pltpu.async_copy(
                rows_s.at[b], gs_hbm.at[pl.ds(base + off, CH)], ws[b]))
            g_h[2 * b + 1].wait()
            w_h.append(pltpu.async_copy(
                rows_r.at[b], gr_hbm.at[pl.ds(base + off, CH)], wr[b]))
        for h in w_h:
            h.wait()
        return carry

    lax.fori_loop(0, NCH // 2, body, 0)


def _edge_body(gs_ref, gr_ref, ef_ref, ln_ref, ea_ref,
               w1c_ref, w1d_ref, b1_ref, w2_ref, b2_ref, w3g_ref, wog_ref,
               c_ref):
    a_s = gs_ref[:, :D]
    nf_s = gs_ref[:, D:]
    pre = a_s + gr_ref[...] + b1_ref[...]
    pre = pre + jnp.dot(ef_ref[...], w1c_ref[...], preferred_element_type=jnp.float32)
    pre = pre + ln_ref[...] * w1d_ref[...]
    h1 = pre * jax.nn.sigmoid(pre)
    pre2 = jnp.dot(h1, w2_ref[...], preferred_element_type=jnp.float32) + b2_ref[...]
    h2 = pre2 * jax.nn.sigmoid(pre2)
    tpw = jnp.dot(h2, w3g_ref[...], preferred_element_type=jnp.float32)
    acc = None
    for a in range(DA):
        m = nf_s * tpw[:, a * D:(a + 1) * D] * ea_ref[:, a:a + 1]
        part = jnp.dot(m, wog_ref[a], preferred_element_type=jnp.float32)
        acc = part if acc is None else acc + part
    c_ref[...] = acc


def _edge_compute(gs, gr, ef, ln, ea, w1c, w1d, b1r, w2, b2r, w3g, wog):
    blk = 1024
    grid = E_PAD // blk
    full = lambda i: (0, 0)
    return pl.pallas_call(
        _edge_body,
        grid=(grid,),
        in_specs=[
            pl.BlockSpec((blk, 2 * D), lambda i: (i, 0)),
            pl.BlockSpec((blk, D), lambda i: (i, 0)),
            pl.BlockSpec((blk, DF), lambda i: (i, 0)),
            pl.BlockSpec((blk, 1), lambda i: (i, 0)),
            pl.BlockSpec((blk, DA), lambda i: (i, 0)),
            pl.BlockSpec((DF, D), full),
            pl.BlockSpec((1, D), full),
            pl.BlockSpec((1, D), full),
            pl.BlockSpec((D, D), full),
            pl.BlockSpec((1, D), full),
            pl.BlockSpec((D, MID), full),
            pl.BlockSpec((DA, D, D), lambda i: (0, 0, 0)),
        ],
        out_specs=pl.BlockSpec((blk, D), lambda i: (i, 0)),
        out_shape=jax.ShapeDtypeStruct((E_PAD, D), jnp.float32),
    )(gs, gr, ef, ln, ea, w1c, w1d, b1r, w2, b2r, w3g, wog)


@functools.partial(
    pl.kernel,
    mesh=_mesh,
    out_type=jax.ShapeDtypeStruct((2, 16, RPT, D), jnp.float32),
    scratch_types=[
        pltpu.VMEM((NCH, CH), jnp.int32),
        pltpu.VMEM((2, CH, D), jnp.float32),
        pltpu.VMEM_SHARED((N, D), jnp.float32),
        pltpu.SemaphoreType.DMA,
        pltpu.SemaphoreType.DMA,
    ],
)
def _scatter(c_hbm, rcv3_hbm, zeros_hbm, out_hbm, idx_v, rows_v, accum,
             sl0, sl1):
    c = lax.axis_index("c")
    s = lax.axis_index("s")
    wid = c * 16 + s
    base = wid * EPW
    pltpu.sync_copy(zeros_hbm, accum.at[pl.ds(s * RPT, RPT)])
    pltpu.sync_copy(rcv3_hbm.at[wid], idx_v)
    plsc.subcore_barrier()
    sl = (sl0, sl1)

    def body(t, carry):
        h = []
        for b in range(2):
            j = 2 * t + b
            h.append(pltpu.async_copy(
                c_hbm.at[pl.ds(base + j * CH, CH)], rows_v.at[b], sl[b]))
        for b in range(2):
            j = 2 * t + b
            h[b].wait()
            pltpu.sync_copy(rows_v.at[b], accum.at[idx_v.at[j]], add=True)
        return carry

    lax.fori_loop(0, NCH // 2, body, 0)
    plsc.subcore_barrier()
    pltpu.sync_copy(accum.at[pl.ds(s * RPT, RPT)], out_hbm.at[c, s])


def _add_body(p0_ref, p1_ref, o_ref):
    o_ref[...] = p0_ref[...] + p1_ref[...]


def _final_add(p0, p1):
    blk = 1000
    return pl.pallas_call(
        _add_body,
        grid=(N // blk,),
        in_specs=[
            pl.BlockSpec((blk, D), lambda i: (i, 0)),
            pl.BlockSpec((blk, D), lambda i: (i, 0)),
        ],
        out_specs=pl.BlockSpec((blk, D), lambda i: (i, 0)),
        out_shape=jax.ShapeDtypeStruct((N, D), jnp.float32),
    )(p0, p1)


def kernel(node_feats, edge_attrs, edge_feats, lengths, edge_index,
           W_scalar, W_up, W1, b1, W2, b2, W3, W_out):
    pad = E_PAD - E_IN
    snd = jnp.pad(edge_index[0], (0, pad))
    rcv = jnp.pad(edge_index[1], (0, pad))
    ea = jnp.pad(edge_attrs, ((0, pad), (0, 0)))
    ef = jnp.pad(edge_feats, ((0, pad), (0, 0)))
    ln = jnp.pad(lengths, ((0, pad), (0, 0)))

    w1a = W1[:D]
    w1b = W1[D:2 * D]
    w1c = W1[2 * D:2 * D + DF]
    w1d = W1[2 * D + DF:2 * D + DF + 1]
    b1r = b1.reshape(1, D)
    b2r = b2.reshape(1, D)
    w3g = W3.reshape(D, D, DA).transpose(0, 2, 1).reshape(D, MID)
    wog = W_out.reshape(D, DA, D).transpose(1, 0, 2) / AVG

    ts, tr = _node_precompute(node_feats, W_scalar, W_up, w1a, w1b)
    gs, gr = _gather(ts, tr, snd, rcv)
    cmsg = _edge_compute(gs, gr, ef, ln, ea, w1c, w1d, b1r, W2, b2r, w3g, wog)
    partials = _scatter(cmsg, rcv.reshape(NW, NCH, CH),
                        jnp.zeros((RPT, D), jnp.float32)).reshape(2, N, D)
    out = _final_add(partials[0], partials[1])
    return out.reshape(N, D, 1)

# --- scband reference (transcript-rebuilt; emitter-appended) ---
"""Pipeline reference for scband-diffusion-interaction-block-25082609009191 (READ-ONLY COPY).

The authoritative reference and input builder live on the scoring server;
editing this copy changes nothing except your own understanding.
"""

import jax, jax.numpy as jnp
import numpy as np

N = 10000
E = 160000
D = 128      # node feature dim (128x0e)
DA = 4       # edge_attrs dim (4x0e)
DF = 8       # edge_feats dim (radial basis)
MID = D * DA # full scalar tensor product width (512x0e)
AVG_NUM_NEIGHBORS = 16.0


def setup_inputs(seed: int = 0) -> dict:
    key = jax.random.key(seed)
    ks = jax.random.split(key, 14)
    node_feats = jax.random.normal(ks[0], (N, D), dtype=jnp.float32)
    edge_attrs = jax.random.normal(ks[1], (E, DA), dtype=jnp.float32)
    edge_feats = jax.random.normal(ks[2], (E, DF), dtype=jnp.float32)
    lengths = jax.random.uniform(ks[3], (E, 1), dtype=jnp.float32)
    edge_index = jax.random.randint(ks[4], (2, E), 0, N, dtype=jnp.int32)
    def glorot(k, fan_in, fan_out):
        s = np.sqrt(2.0 / (fan_in + fan_out))
        return jax.random.normal(k, (fan_in, fan_out), dtype=jnp.float32) * s
    in_mlp = 2 * D + DF + 1
    W_scalar = glorot(ks[5], D, D)
    W_up = glorot(ks[6], D, D)
    W1 = glorot(ks[7], in_mlp, D)
    b1 = jnp.zeros((D,), dtype=jnp.float32)
    W2 = glorot(ks[8], D, D)
    b2 = jnp.zeros((D,), dtype=jnp.float32)
    # last layer of conv_tp_weights uses variance_scaling(scale=0.001**2)
    W3 = jax.random.uniform(ks[9], (D, MID), dtype=jnp.float32, minval=-1.0, maxval=1.0) * (0.001 * np.sqrt(6.0 / (D + MID)))
    W_out = glorot(ks[10], MID, D)
    return {
        'node_feats': node_feats,
        'edge_attrs': edge_attrs,
        'edge_feats': edge_feats,
        'lengths': lengths,
        'edge_index': edge_index,
        'W_scalar': W_scalar,
        'W_up': W_up,
        'W1': W1,
        'b1': b1,
        'W2': W2,
        'b2': b2,
        'W3': W3,
        'W_out': W_out,
    }


def reference(node_feats, edge_attrs, edge_feats, lengths, edge_index,
              W_scalar, W_up, W1, b1, W2, b2, W3, W_out):
    # linear_scalar / linear_up (scalar irreps -> plain dense, no bias)
    node_scalars = node_feats @ W_scalar            # [N, D]
    nf = node_feats @ W_up                          # [N, D]
    sender = edge_index[0]
    receiver = edge_index[1]
    # conv_tp_weights MLP: Dense->silu->Dense->silu->Dense(no bias)
    h = jnp.concatenate([node_scalars[sender], node_scalars[receiver], edge_feats, lengths], axis=-1)
    h = jax.nn.silu(h @ W1 + b1)
    h = jax.nn.silu(h @ W2 + b2)
    tp_weights = h @ W3                             # [E, MID]
    # tensor product of 128x0e (gathered sender feats) with 4x0e edge attrs -> 512x0e
    mji = (nf[sender][:, :, None] * edge_attrs[:, None, :]).reshape(E, MID)
    mji = mji * tp_weights
    # scatter_sum over destination nodes
    message = jax.ops.segment_sum(mji, receiver, num_segments=N)  # [N, MID]
    message = (message @ W_out) / AVG_NUM_NEIGHBORS               # [N, D]
    # reshape_irreps for 128x0e -> [N, 128, 1]
    return message.reshape(N, D, 1)

if __name__ == "__main__":
    import jax
    _d = setup_inputs()
    print(jax.jit(kernel)(*tuple(_d.values())))

</pallas_src>

<mosaic_0001>
#map = affine_map<(d0, d1) -> (0, 0)>
#map1 = affine_map<(d0, d1) -> (0)>
module attributes {stable_mosaic.version = 14 : i64} {
  func.func @_gather(%arg0: i32, %arg1: i32, %arg2: memref<10000x256xf32, #tpu.memory_space<hbm>>, %arg3: memref<10000x128xf32, #tpu.memory_space<hbm>>, %arg4: memref<163840xi32, #tpu.memory_space<hbm>>, %arg5: memref<163840xi32, #tpu.memory_space<hbm>>, %arg6: memref<163840x256xf32, #tpu.memory_space<hbm>>, %arg7: memref<163840x128xf32, #tpu.memory_space<hbm>>, %arg8: memref<5120xi32, #tpu.memory_space<vmem>>, %arg9: memref<5120xi32, #tpu.memory_space<vmem>>, %arg10: memref<2x128x256xf32, #tpu.memory_space<vmem>>, %arg11: memref<2x128x128xf32, #tpu.memory_space<vmem>>, %arg12: memref<!tpu.dma_semaphore, #tpu.memory_space<semaphore_mem>>, %arg13: memref<!tpu.dma_semaphore, #tpu.memory_space<semaphore_mem>>, %arg14: memref<!tpu.dma_semaphore, #tpu.memory_space<semaphore_mem>>, %arg15: memref<!tpu.dma_semaphore, #tpu.memory_space<semaphore_mem>>, %arg16: memref<!tpu.dma_semaphore, #tpu.memory_space<semaphore_mem>>, %arg17: memref<!tpu.dma_semaphore, #tpu.memory_space<semaphore_mem>>, %arg18: memref<!tpu.dma_semaphore, #tpu.memory_space<semaphore_mem>>, %arg19: memref<!tpu.dma_semaphore, #tpu.memory_space<semaphore_mem>>) attributes {dimension_semantics = [#tpu.dimension_semantics<core_parallel>, #tpu.dimension_semantics<subcore_parallel>], iteration_bounds = array<i64: 2, 16>, scalar_prefetch = 0 : i64, scratch_operands = 12 : i64, tpu.core_type = #tpu.core_type<sc_vector_subcore>, window_params = [{transform_indices = #map}, {transform_indices = #map}, {transform_indices = #map1}, {transform_indices = #map1}, {transform_indices = #map}, {transform_indices = #map}]} {
    %mul3A = arith.constant 16 : i32
    %mul3A_0 = arith.muli %arg0, %mul3A : i32
    %add3A = arith.addi %mul3A_0, %arg1 : i32
    %mul3A_1 = arith.constant 5120 : i32
    %mul3A_2 = arith.muli %add3A, %mul3A_1 : i32
    "tpu.region"() ({
      %run_scoped3A = tpu.sem_alloc : memref<!tpu.dma_semaphore, #tpu.memory_space<semaphore_mem>>
      %dma_start3A = tpu.memref_slice %arg4[%mul3A_2] : memref<163840xi32, #tpu.memory_space<hbm>> -> memref<5120xi32, #tpu.memory_space<hbm>>
      %dma_start3A_8 = tpu.memref_slice %arg4[%mul3A_2] : memref<163840xi32, #tpu.memory_space<hbm>> -> memref<5120xi32, #tpu.memory_space<hbm>>
      tpu.enqueue_dma source(%dma_start3A_8 : memref<5120xi32, #tpu.memory_space<hbm>>) target(%arg8 : memref<5120xi32, #tpu.memory_space<vmem>>) target_semaphore(%run_scoped3A : memref<!tpu.dma_semaphore, #tpu.memory_space<semaphore_mem>>)
      %dma_wait3A = tpu.memref_slice %arg4[%mul3A_2] : memref<163840xi32, #tpu.memory_space<hbm>> -> memref<5120xi32, #tpu.memory_space<hbm>>
      %dma_wait3A_9 = tpu.memref_slice %arg4[%mul3A_2] : memref<163840xi32, #tpu.memory_space<hbm>> -> memref<5120xi32, #tpu.memory_space<hbm>>
      tpu.wait_dma2 semaphore(%run_scoped3A : memref<!tpu.dma_semaphore, #tpu.memory_space<semaphore_mem>>) src(%dma_wait3A_9 : memref<5120xi32, #tpu.memory_space<hbm>>) dst(%arg8 : memref<5120xi32, #tpu.memory_space<vmem>>)
      tpu.yield
    }) : () -> ()
    "tpu.region"() ({
      %run_scoped3A = tpu.sem_alloc : memref<!tpu.dma_semaphore, #tpu.memory_space<semaphore_mem>>
      %dma_start3A = tpu.memref_slice %arg5[%mul3A_2] : memref<163840xi32, #tpu.memory_space<hbm>> -> memref<5120xi32, #tpu.memory_space<hbm>>
      %dma_start3A_8 = tpu.memref_slice %arg5[%mul3A_2] : memref<163840xi32, #tpu.memory_space<hbm>> -> memref<5120xi32, #tpu.memory_space<hbm>>
      tpu.enqueue_dma source(%dma_start3A_8 : memref<5120xi32, #tpu.memory_space<hbm>>) target(%arg9 : memref<5120xi32, #tpu.memory_space<vmem>>) target_semaphore(%run_scoped3A : memref<!tpu.dma_semaphore, #tpu.memory_space<semaphore_mem>>)
      %dma_wait3A = tpu.memref_slice %arg5[%mul3A_2] : memref<163840xi32, #tpu.memory_space<hbm>> -> memref<5120xi32, #tpu.memory_space<hbm>>
      %dma_wait3A_9 = tpu.memref_slice %arg5[%mul3A_2] : memref<163840xi32, #tpu.memory_space<hbm>> -> memref<5120xi32, #tpu.memory_space<hbm>>
      tpu.wait_dma2 semaphore(%run_scoped3A : memref<!tpu.dma_semaphore, #tpu.memory_space<semaphore_mem>>) src(%dma_wait3A_9 : memref<5120xi32, #tpu.memory_space<hbm>>) dst(%arg9 : memref<5120xi32, #tpu.memory_space<vmem>>)
      tpu.yield
    }) : () -> ()
    %scan3A = arith.constant 0 : i32
    %scan3A_3 = arith.constant 0 : i32
    %scan3A_4 = arith.constant 20 : i32
    %scan3A_5 = arith.addi %scan3A_3, %scan3A_4 : i32
    %scan3A_6 = arith.constant 1 : i32
    scf.for %scan3A_8 = %scan3A_3 to %scan3A_5 step %scan3A_6  : i32 {
      %mul3A_9 = arith.constant 2 : i32
      %mul3A_10 = arith.muli %mul3A_9, %scan3A_8 : i32
      %add3A_11 = arith.constant 0 : i32
      %add3A_12 = arith.addi %mul3A_10, %add3A_11 : i32
      %mul3A_13 = arith.constant 128 : i32
      %mul3A_14 = arith.muli %add3A_12, %mul3A_13 : i32
      %dma_start3A = arith.constant 0 : i32
      %dma_start3A_15 = arith.constant 0 : i32
      %dma_start3A_16 = arith.constant 0 : i32
      %dma_start3A_17 = tpu.memref_slice %arg10[%dma_start3A, %dma_start3A_15, %dma_start3A_16] : memref<2x128x256xf32, #tpu.memory_space<vmem>> -> memref<1x128x256xf32, #tpu.memory_space<vmem>>
      %dma_start3A_18 = tpu.memref_squeeze %dma_start3A_17 : memref<1x128x256xf32, #tpu.memory_space<vmem>> -> memref<128x256xf32, #tpu.memory_space<vmem>>
      %dma_start3A_19 = tpu.memref_slice %arg8[%mul3A_14] : memref<5120xi32, #tpu.memory_space<vmem>> -> memref<128xi32, #tpu.memory_space<vmem>>
      %dma_start3A_20 = arith.constant 0 : i32
      %dma_start3A_21 = arith.constant 0 : i32
      %dma_start3A_22 = tpu.memref_slice %arg2[%dma_start3A_20, %dma_start3A_21] : memref<10000x256xf32, #tpu.memory_space<hbm>> -> memref<10000x256xf32, #tpu.memory_space<hbm>>
      tpu.enqueue_indirect_dma source(%dma_start3A_22 : memref<10000x256xf32, #tpu.memory_space<hbm>>) target(%dma_start3A_18 : memref<128x256xf32, #tpu.memory_space<vmem>>) offsets(%dma_start3A_19 : memref<128xi32, #tpu.memory_space<vmem>>) semaphore(%arg12 : memref<!tpu.dma_semaphore, #tpu.memory_space<semaphore_mem>>)
      %dma_start3A_23 = arith.constant 0 : i32
      %dma_start3A_24 = arith.constant 0 : i32
      %dma_start3A_25 = arith.constant 0 : i32
      %dma_start3A_26 = tpu.memref_slice %arg11[%dma_start3A_23, %dma_start3A_24, %dma_start3A_25] : memref<2x128x128xf32, #tpu.memory_space<vmem>> -> memref<1x128x128xf32, #tpu.memory_space<vmem>>
      %dma_start3A_27 = tpu.memref_squeeze %dma_start3A_26 : memref<1x128x128xf32, #tpu.memory_space<vmem>> -> memref<128x128xf32, #tpu.memory_space<vmem>>
      %dma_start3A_28 = tpu.memref_slice %arg9[%mul3A_14] : memref<5120xi32, #tpu.memory_space<vmem>> -> memref<128xi32, #tpu.memory_space<vmem>>
      %dma_start3A_29 = arith.constant 0 : i32
      %dma_start3A_30 = arith.constant 0 : i32
      %dma_start3A_31 = tpu.memref_slice %arg3[%dma_start3A_29, %dma_start3A_30] : memref<10000x128xf32, #tpu.memory_space<hbm>> -> memref<10000x128xf32, #tpu.memory_space<hbm>>
      tpu.enqueue_indirect_dma source(%dma_start3A_31 : memref<10000x128xf32, #tpu.memory_space<hbm>>) target(%dma_start3A_27 : memref<128x128xf32, #tpu.memory_space<vmem>>) offsets(%dma_start3A_28 : memref<128xi32, #tpu.memory_space<vmem>>) semaphore(%arg14 : memref<!tpu.dma_semaphore, #tpu.memory_space<semaphore_mem>>)
      %mul3A_32 = arith.constant 2 : i32
      %mul3A_33 = arith.muli %mul3A_32, %scan3A_8 : i32
      %add3A_34 = arith.constant 1 : i32
      %add3A_35 = arith.addi %mul3A_33, %add3A_34 : i32
      %mul3A_36 = arith.constant 128 : i32
      %mul3A_37 = arith.muli %add3A_35, %mul3A_36 : i32
      %dma_start3A_38 = arith.constant 1 : i32
      %dma_start3A_39 = arith.constant 0 : i32
      %dma_start3A_40 = arith.constant 0 : i32
      %dma_start3A_41 = tpu.memref_slice %arg10[%dma_start3A_38, %dma_start3A_39, %dma_start3A_40] : memref<2x128x256xf32, #tpu.memory_space<vmem>> -> memref<1x128x256xf32, #tpu.memory_space<vmem>>
      %dma_start3A_42 = tpu.memref_squeeze %dma_start3A_41 : memref<1x128x256xf32, #tpu.memory_space<vmem>> -> memref<128x256xf32, #tpu.memory_space<vmem>>
      %dma_start3A_43 = tpu.memref_slice %arg8[%mul3A_37] : memref<5120xi32, #tpu.memory_space<vmem>> -> memref<128xi32, #tpu.memory_space<vmem>>
      %dma_start3A_44 = arith.constant 0 : i32
      %dma_start3A_45 = arith.constant 0 : i32
      %dma_start3A_46 = tpu.memref_slice %arg2[%dma_start3A_44, %dma_start3A_45] : memref<10000x256xf32, #tpu.memory_space<hbm>> -> memref<10000x256xf32, #tpu.memory_space<hbm>>
      tpu.enqueue_indirect_dma source(%dma_start3A_46 : memref<10000x256xf32, #tpu.memory_space<hbm>>) target(%dma_start3A_42 : memref<128x256xf32, #tpu.memory_space<vmem>>) offsets(%dma_start3A_43 : memref<128xi32, #tpu.memory_space<vmem>>) semaphore(%arg13 : memref<!tpu.dma_semaphore, #tpu.memory_space<semaphore_mem>>)
      %dma_start3A_47 = arith.constant 1 : i32
      %dma_start3A_48 = arith.constant 0 : i32
      %dma_start3A_49 = arith.constant 0 : i32
      %dma_start3A_50 = tpu.memref_slice %arg11[%dma_start3A_47, %dma_start3A_48, %dma_start3A_49] : memref<2x128x128xf32, #tpu.memory_space<vmem>> -> memref<1x128x128xf32, #tpu.memory_space<vmem>>
      %dma_start3A_51 = tpu.memref_squeeze %dma_start3A_50 : memref<1x128x128xf32, #tpu.memory_space<vmem>> -> memref<128x128xf32, #tpu.memory_space<vmem>>
      %dma_start3A_52 = tpu.memref_slice %arg9[%mul3A_37] : memref<5120xi32, #tpu.memory_space<vmem>> -> memref<128xi32, #tpu.memory_space<vmem>>
      %dma_start3A_53 = arith.constant 0 : i32
      %dma_start3A_54 = arith.constant 0 : i32
      %dma_start3A_55 = tpu.memref_slice %arg3[%dma_start3A_53, %dma_start3A_54] : memref<10000x128xf32, #tpu.memory_space<hbm>> -> memref<10000x128xf32, #tpu.memory_space<hbm>>
      tpu.enqueue_indirect_dma source(%dma_start3A_55 : memref<10000x128xf32, #tpu.memory_space<hbm>>) target(%dma_start3A_51 : memref<128x128xf32, #tpu.memory_space<vmem>>) offsets(%dma_start3A_52 : memref<128xi32, #tpu.memory_space<vmem>>) semaphore(%arg15 : memref<!tpu.dma_semaphore, #tpu.memory_space<semaphore_mem>>)
      %mul3A_56 = arith.constant 2 : i32
      %mul3A_57 = arith.muli %mul3A_56, %scan3A_8 : i32
      %add3A_58 = arith.constant 0 : i32
      %add3A_59 = arith.addi %mul3A_57, %add3A_58 : i32
      %mul3A_60 = arith.constant 128 : i32
      %mul3A_61 = arith.muli %add3A_59, %mul3A_60 : i32
      %dma_wait3A = arith.constant 0 : i32
      %dma_wait3A_62 = arith.constant 0 : i32
      %dma_wait3A_63 = arith.constant 0 : i32
      %dma_wait3A_64 = tpu.memref_slice %arg10[%dma_wait3A, %dma_wait3A_62, %dma_wait3A_63] : memref<2x128x256xf32, #tpu.memory_space<vmem>> -> memref<1x128x256xf32, #tpu.memory_space<vmem>>
      %dma_wait3A_65 = tpu.memref_squeeze %dma_wait3A_64 : memref<1x128x256xf32, #tpu.memory_space<vmem>> -> memref<128x256xf32, #tpu.memory_space<vmem>>
      %dma_wait3A_66 = tpu.memref_slice %arg8[%mul3A_14] : memref<5120xi32, #tpu.memory_space<vmem>> -> memref<128xi32, #tpu.memory_space<vmem>>
      %dma_wait3A_67 = arith.constant 0 : i32
      %dma_wait3A_68 = arith.constant 0 : i32
      %dma_wait3A_69 = tpu.memref_slice %arg2[%dma_wait3A_67, %dma_wait3A_68] : memref<10000x256xf32, #tpu.memory_space<hbm>> -> memref<10000x256xf32, #tpu.memory_space<hbm>>
      tpu.wait_indirect_dma semaphore(%arg12 : memref<!tpu.dma_semaphore, #tpu.memory_space<semaphore_mem>>) src(%dma_wait3A_69 : memref<10000x256xf32, #tpu.memory_space<hbm>>) dst(%dma_wait3A_65 : memref<128x256xf32, #tpu.memory_space<vmem>>)
      %add3A_70 = arith.addi %mul3A_2, %mul3A_61 : i32
      %dma_start3A_71 = arith.constant 0 : i32
      %dma_start3A_72 = arith.constant 0 : i32
      %dma_start3A_73 = arith.constant 0 : i32
      %dma_start3A_74 = tpu.memref_slice %arg10[%dma_start3A_71, %dma_start3A_72, %dma_start3A_73] : memref<2x128x256xf32, #tpu.memory_space<vmem>> -> memref<1x128x256xf32, #tpu.memory_space<vmem>>
      %dma_start3A_75 = tpu.memref_squeeze %dma_start3A_74 : memref<1x128x256xf32, #tpu.memory_space<vmem>> -> memref<128x256xf32, #tpu.memory_space<vmem>>
      %dma_start3A_76 = arith.constant 0 : i32
      %dma_start3A_77 = tpu.memref_slice %arg6[%add3A_70, %dma_start3A_76] : memref<163840x256xf32, #tpu.memory_space<hbm>> -> memref<128x256xf32, #tpu.memory_space<hbm>>
      %dma_start3A_78 = arith.constant 0 : i32
      %dma_start3A_79 = tpu.memref_slice %arg6[%add3A_70, %dma_start3A_78] : memref<163840x256xf32, #tpu.memory_space<hbm>> -> memref<128x256xf32, #tpu.memory_space<hbm>>
      %dma_start3A_80 = arith.constant 0 : i32
      %dma_start3A_81 = arith.constant 0 : i32
      %dma_start3A_82 = tpu.memref_slice %arg10[%dma_start3A_71, %dma_start3A_80, %dma_start3A_81] : memref<2x128x256xf32, #tpu.memory_space<vmem>> -> memref<1x128x256xf32, #tpu.memory_space<vmem>>
      %dma_start3A_83 = tpu.memref_squeeze %dma_start3A_82 : memref<1x128x256xf32, #tpu.memory_space<vmem>> -> memref<128x256xf32, #tpu.memory_space<vmem>>
      tpu.enqueue_dma source(%dma_start3A_83 : memref<128x256xf32, #tpu.memory_space<vmem>>) target(%dma_start3A_79 : memref<128x256xf32, #tpu.memory_space<hbm>>) target_semaphore(%arg16 : memref<!tpu.dma_semaphore, #tpu.memory_space<semaphore_mem>>)
      %dma_wait3A_84 = arith.constant 0 : i32
      %dma_wait3A_85 = arith.constant 0 : i32
      %dma_wait3A_86 = arith.constant 0 : i32
      %dma_wait3A_87 = tpu.memref_slice %arg11[%dma_wait3A_84, %dma_wait3A_85, %dma_wait3A_86] : memref<2x128x128xf32, #tpu.memory_space<vmem>> -> memref<1x128x128xf32, #tpu.memory_space<vmem>>
      %dma_wait3A_88 = tpu.memref_squeeze %dma_wait3A_87 : memref<1x128x128xf32, #tpu.memory_space<vmem>> -> memref<128x128xf32, #tpu.memory_space<vmem>>
      %dma_wait3A_89 = tpu.memref_slice %arg9[%mul3A_14] : memref<5120xi32, #tpu.memory_space<vmem>> -> memref<128xi32, #tpu.memory_space<vmem>>
      %dma_wait3A_90 = arith.constant 0 : i32
      %dma_wait3A_91 = arith.constant 0 : i32
      %dma_wait3A_92 = tpu.memref_slice %arg3[%dma_wait3A_90, %dma_wait3A_91] : memref<10000x128xf32, #tpu.memory_space<hbm>> -> memref<10000x128xf32, #tpu.memory_space<hbm>>
      tpu.wait_indirect_dma semaphore(%arg14 : memref<!tpu.dma_semaphore, #tpu.memory_space<semaphore_mem>>) src(%dma_wait3A_92 : memref<10000x128xf32, #tpu.memory_space<hbm>>) dst(%dma_wait3A_88 : memref<128x128xf32, #tpu.memory_space<vmem>>)
      %add3A_93 = arith.addi %mul3A_2, %mul3A_61 : i32
      %dma_start3A_94 = arith.constant 0 : i32
      %dma_start3A_95 = arith.constant 0 : i32
      %dma_start3A_96 = arith.constant 0 : i32
      %dma_start3A_97 = tpu.memref_slice %arg11[%dma_start3A_94, %dma_start3A_95, %dma_start3A_96] : memref<2x128x128xf32, #tpu.memory_space<vmem>> -> memref<1x128x128xf32, #tpu.memory_space<vmem>>
      %dma_start3A_98 = tpu.memref_squeeze %dma_start3A_97 : memref<1x128x128xf32, #tpu.memory_space<vmem>> -> memref<128x128xf32, #tpu.memory_space<vmem>>
      %dma_start3A_99 = arith.constant 0 : i32
      %dma_start3A_100 = tpu.memref_slice %arg7[%add3A_93, %dma_start3A_99] : memref<163840x128xf32, #tpu.memory_space<hbm>> -> memref<128x128xf32, #tpu.memory_space<hbm>>
      %dma_start3A_101 = arith.constant 0 : i32
      %dma_start3A_102 = tpu.memref_slice %arg7[%add3A_93, %dma_start3A_101] : memref<163840x128xf32, #tpu.memory_space<hbm>> -> memref<128x128xf32, #tpu.memory_space<hbm>>
      %dma_start3A_103 = arith.constant 0 : i32
      %dma_start3A_104 = arith.constant 0 : i32
      %dma_start3A_105 = tpu.memref_slice %arg11[%dma_start3A_94, %dma_start3A_103, %dma_start3A_104] : memref<2x128x128xf32, #tpu.memory_space<vmem>> -> memref<1x128x128xf32, #tpu.memory_space<vmem>>
      %dma_start3A_106 = tpu.memref_squeeze %dma_start3A_105 : memref<1x128x128xf32, #tpu.memory_space<vmem>> -> memref<128x128xf32, #tpu.memory_space<vmem>>
      tpu.enqueue_dma source(%dma_start3A_106 : memref<128x128xf32, #tpu.memory_space<vmem>>) target(%dma_start3A_102 : memref<128x128xf32, #tpu.memory_space<hbm>>) target_semaphore(%arg18 : memref<!tpu.dma_semaphore, #tpu.memory_space<semaphore_mem>>)
      %mul3A_107 = arith.constant 2 : i32
      %mul3A_108 = arith.muli %mul3A_107, %scan3A_8 : i32
      %add3A_109 = arith.constant 1 : i32
      %add3A_110 = arith.addi %mul3A_108, %add3A_109 : i32
      %mul3A_111 = arith.constant 128 : i32
      %mul3A_112 = arith.muli %add3A_110, %mul3A_111 : i32
      %dma_wait3A_113 = arith.constant 1 : i32
      %dma_wait3A_114 = arith.constant 0 : i32
      %dma_wait3A_115 = arith.constant 0 : i32
      %dma_wait3A_116 = tpu.memref_slice %arg10[%dma_wait3A_113, %dma_wait3A_114, %dma_wait3A_115] : memref<2x128x256xf32, #tpu.memory_space<vmem>> -> memref<1x128x256xf32, #tpu.memory_space<vmem>>
      %dma_wait3A_117 = tpu.memref_squeeze %dma_wait3A_116 : memref<1x128x256xf32, #tpu.memory_space<vmem>> -> memref<128x256xf32, #tpu.memory_space<vmem>>
      %dma_wait3A_118 = tpu.memref_slice %arg8[%mul3A_37] : memref<5120xi32, #tpu.memory_space<vmem>> -> memref<128xi32, #tpu.memory_space<vmem>>
      %dma_wait3A_119 = arith.constant 0 : i32
      %dma_wait3A_120 = arith.constant 0 : i32
      %dma_wait3A_121 = tpu.memref_slice %arg2[%dma_wait3A_119, %dma_wait3A_120] : memref<10000x256xf32, #tpu.memory_space<hbm>> -> memref<10000x256xf32, #tpu.memory_space<hbm>>
      tpu.wait_indirect_dma semaphore(%arg13 : memref<!tpu.dma_semaphore, #tpu.memory_space<semaphore_mem>>) src(%dma_wait3A_121 : memref<10000x256xf32, #tpu.memory_space<hbm>>) dst(%dma_wait3A_117 : memref<128x256xf32, #tpu.memory_space<vmem>>)
      %add3A_122 = arith.addi %mul3A_2, %mul3A_112 : i32
      %dma_start3A_123 = arith.constant 1 : i32
      %dma_start3A_124 = arith.constant 0 : i32
      %dma_start3A_125 = arith.constant 0 : i32
      %dma_start3A_126 = tpu.memref_slice %arg10[%dma_start3A_123, %dma_start3A_124, %dma_start3A_125] : memref<2x128x256xf32, #tpu.memory_space<vmem>> -> memref<1x128x256xf32, #tpu.memory_space<vmem>>
      %dma_start3A_127 = tpu.memref_squeeze %dma_start3A_126 : memref<1x128x256xf32, #tpu.memory_space<vmem>> -> memref<128x256xf32, #tpu.memory_space<vmem>>
      %dma_start3A_128 = arith.constant 0 : i32
      %dma_start3A_129 = tpu.memref_slice %arg6[%add3A_122, %dma_start3A_128] : memref<163840x256xf32, #tpu.memory_space<hbm>> -> memref<128x256xf32, #tpu.memory_space<hbm>>
      %dma_start3A_130 = arith.constant 0 : i32
      %dma_start3A_131 = tpu.memref_slice %arg6[%add3A_122, %dma_start3A_130] : memref<163840x256xf32, #tpu.memory_space<hbm>> -> memref<128x256xf32, #tpu.memory_space<hbm>>
      %dma_start3A_132 = arith.constant 0 : i32
      %dma_start3A_133 = arith.constant 0 : i32
      %dma_start3A_134 = tpu.memref_slice %arg10[%dma_start3A_123, %dma_start3A_132, %dma_start3A_133] : memref<2x128x256xf32, #tpu.memory_space<vmem>> -> memref<1x128x256xf32, #tpu.memory_space<vmem>>
      %dma_start3A_135 = tpu.memref_squeeze %dma_start3A_134 : memref<1x128x256xf32, #tpu.memory_space<vmem>> -> memref<128x256xf32, #tpu.memory_space<vmem>>
      tpu.enqueue_dma source(%dma_start3A_135 : memref<128x256xf32, #tpu.memory_space<vmem>>) target(%dma_start3A_131 : memref<128x256xf32, #tpu.memory_space<hbm>>) target_semaphore(%arg17 : memref<!tpu.dma_semaphore, #tpu.memory_space<semaphore_mem>>)
      %dma_wait3A_136 = arith.constant 1 : i32
      %dma_wait3A_137 = arith.constant 0 : i32
      %dma_wait3A_138 = arith.constant 0 : i32
      %dma_wait3A_139 = tpu.memref_slice %arg11[%dma_wait3A_136, %dma_wait3A_137, %dma_wait3A_138] : memref<2x128x128xf32, #tpu.memory_space<vmem>> -> memref<1x128x128xf32, #tpu.memory_space<vmem>>
      %dma_wait3A_140 = tpu.memref_squeeze %dma_wait3A_139 : memref<1x128x128xf32, #tpu.memory_space<vmem>> -> memref<128x128xf32, #tpu.memory_space<vmem>>
      %dma_wait3A_141 = tpu.memref_slice %arg9[%mul3A_37] : memref<5120xi32, #tpu.memory_space<vmem>> -> memref<128xi32, #tpu.memory_space<vmem>>
      %dma_wait3A_142 = arith.constant 0 : i32
      %dma_wait3A_143 = arith.constant 0 : i32
      %dma_wait3A_144 = tpu.memref_slice %arg3[%dma_wait3A_142, %dma_wait3A_143] : memref<10000x128xf32, #tpu.memory_space<hbm>> -> memref<10000x128xf32, #tpu.memory_space<hbm>>
      tpu.wait_indirect_dma semaphore(%arg15 : memref<!tpu.dma_semaphore, #tpu.memory_space<semaphore_mem>>) src(%dma_wait3A_144 : memref<10000x128xf32, #tpu.memory_space<hbm>>) dst(%dma_wait3A_140 : memref<128x128xf32, #tpu.memory_space<vmem>>)
      %add3A_145 = arith.addi %mul3A_2, %mul3A_112 : i32
      %dma_start3A_146 = arith.constant 1 : i32
      %dma_start3A_147 = arith.constant 0 : i32
      %dma_start3A_148 = arith.constant 0 : i32
      %dma_start3A_149 = tpu.memref_slice %arg11[%dma_start3A_146, %dma_start3A_147, %dma_start3A_148] : memref<2x128x128xf32, #tpu.memory_space<vmem>> -> memref<1x128x128xf32, #tpu.memory_space<vmem>>
      %dma_start3A_150 = tpu.memref_squeeze %dma_start3A_149 : memref<1x128x128xf32, #tpu.memory_space<vmem>> -> memref<128x128xf32, #tpu.memory_space<vmem>>
      %dma_start3A_151 = arith.constant 0 : i32
      %dma_start3A_152 = tpu.memref_slice %arg7[%add3A_145, %dma_start3A_151] : memref<163840x128xf32, #tpu.memory_space<hbm>> -> memref<128x128xf32, #tpu.memory_space<hbm>>
      %dma_start3A_153 = arith.constant 0 : i32
      %dma_start3A_154 = tpu.memref_slice %arg7[%add3A_145, %dma_start3A_153] : memref<163840x128xf32, #tpu.memory_space<hbm>> -> memref<128x128xf32, #tpu.memory_space<hbm>>
      %dma_start3A_155 = arith.constant 0 : i32
      %dma_start3A_156 = arith.constant 0 : i32
      %dma_start3A_157 = tpu.memref_slice %arg11[%dma_start3A_146, %dma_start3A_155, %dma_start3A_156] : memref<2x128x128xf32, #tpu.memory_space<vmem>> -> memref<1x128x128xf32, #tpu.memory_space<vmem>>
      %dma_start3A_158 = tpu.memref_squeeze %dma_start3A_157 : memref<1x128x128xf32, #tpu.memory_space<vmem>> -> memref<128x128xf32, #tpu.memory_space<vmem>>
      tpu.enqueue_dma source(%dma_start3A_158 : memref<128x128xf32, #tpu.memory_space<vmem>>) target(%dma_start3A_154 : memref<128x128xf32, #tpu.memory_space<hbm>>) target_semaphore(%arg19 : memref<!tpu.dma_semaphore, #tpu.memory_space<semaphore_mem>>)
      %dma_wait3A_159 = arith.constant 0 : i32
      %dma_wait3A_160 = arith.constant 0 : i32
      %dma_wait3A_161 = arith.constant 0 : i32
      %dma_wait3A_162 = tpu.memref_slice %arg10[%dma_wait3A_159, %dma_wait3A_160, %dma_wait3A_161] : memref<2x128x256xf32, #tpu.memory_space<vmem>> -> memref<1x128x256xf32, #tpu.memory_space<vmem>>
      %dma_wait3A_163 = tpu.memref_squeeze %dma_wait3A_162 : memref<1x128x256xf32, #tpu.memory_space<vmem>> -> memref<128x256xf32, #tpu.memory_space<vmem>>
      %dma_wait3A_164 = arith.constant 0 : i32
      %dma_wait3A_165 = tpu.memref_slice %arg6[%add3A_70, %dma_wait3A_164] : memref<163840x256xf32, #tpu.memory_space<hbm>> -> memref<128x256xf32, #tpu.memory_space<hbm>>
      %dma_wait3A_166 = arith.constant 0 : i32
      %dma_wait3A_167 = tpu.memref_slice %arg6[%add3A_70, %dma_wait3A_166] : memref<163840x256xf32, #tpu.memory_space<hbm>> -> memref<128x256xf32, #tpu.memory_space<hbm>>
      %dma_wait3A_168 = arith.constant 0 : i32
      %dma_wait3A_169 = arith.constant 0 : i32
      %dma_wait3A_170 = tpu.memref_slice %arg10[%dma_wait3A_159, %dma_wait3A_168, %dma_wait3A_169] : memref<2x128x256xf32, #tpu.memory_space<vmem>> -> memref<1x128x256xf32, #tpu.memory_space<vmem>>
      %dma_wait3A_171 = tpu.memref_squeeze %dma_wait3A_170 : memref<1x128x256xf32, #tpu.memory_space<vmem>> -> memref<128x256xf32, #tpu.memory_space<vmem>>
      tpu.wait_dma2 semaphore(%arg16 : memref<!tpu.dma_semaphore, #tpu.memory_space<semaphore_mem>>) src(%dma_wait3A_171 : memref<128x256xf32, #tpu.memory_space<vmem>>) dst(%dma_wait3A_167 : memref<128x256xf32, #tpu.memory_space<hbm>>)
      %dma_wait3A_172 = arith.constant 0 : i32
      %dma_wait3A_173 = arith.constant 0 : i32
      %dma_wait3A_174 = arith.constant 0 : i32
      %dma_wait3A_175 = tpu.memref_slice %arg11[%dma_wait3A_172, %dma_wait3A_173, %dma_wait3A_174] : memref<2x128x128xf32, #tpu.memory_space<vmem>> -> memref<1x128x128xf32, #tpu.memory_space<vmem>>
      %dma_wait3A_176 = tpu.memref_squeeze %dma_wait3A_175 : memref<1x128x128xf32, #tpu.memory_space<vmem>> -> memref<128x128xf32, #tpu.memory_space<vmem>>
      %dma_wait3A_177 = arith.constant 0 : i32
      %dma_wait3A_178 = tpu.memref_slice %arg7[%add3A_93, %dma_wait3A_177] : memref<163840x128xf32, #tpu.memory_space<hbm>> -> memref<128x128xf32, #tpu.memory_space<hbm>>
      %dma_wait3A_179 = arith.constant 0 : i32
      %dma_wait3A_180 = tpu.memref_slice %arg7[%add3A_93, %dma_wait3A_179] : memref<163840x128xf32, #tpu.memory_space<hbm>> -> memref<128x128xf32, #tpu.memory_space<hbm>>
      %dma_wait3A_181 = arith.constant 0 : i32
      %dma_wait3A_182 = arith.constant 0 : i32
      %dma_wait3A_183 = tpu.memref_slice %arg11[%dma_wait3A_172, %dma_wait3A_181, %dma_wait3A_182] : memref<2x128x128xf32, #tpu.memory_space<vmem>> -> memref<1x128x128xf32, #tpu.memory_space<vmem>>
      %dma_wait3A_184 = tpu.memref_squeeze %dma_wait3A_183 : memref<1x128x128xf32, #tpu.memory_space<vmem>> -> memref<128x128xf32, #tpu.memory_space<vmem>>
      tpu.wait_dma2 semaphore(%arg18 : memref<!tpu.dma_semaphore, #tpu.memory_space<semaphore_mem>>) src(%dma_wait3A_184 : memref<128x128xf32, #tpu.memory_space<vmem>>) dst(%dma_wait3A_180 : memref<128x128xf32, #tpu.memory_space<hbm>>)
      %dma_wait3A_185 = arith.constant 1 : i32
      %dma_wait3A_186 = arith.constant 0 : i32
      %dma_wait3A_187 = arith.constant 0 : i32
      %dma_wait3A_188 = tpu.memref_slice %arg10[%dma_wait3A_185, %dma_wait3A_186, %dma_wait3A_187] : memref<2x128x256xf32, #tpu.memory_space<vmem>> -> memref<1x128x256xf32, #tpu.memory_space<vmem>>
      %dma_wait3A_189 = tpu.memref_squeeze %dma_wait3A_188 : memref<1x128x256xf32, #tpu.memory_space<vmem>> -> memref<128x256xf32, #tpu.memory_space<vmem>>
      %dma_wait3A_190 = arith.constant 0 : i32
      %dma_wait3A_191 = tpu.memref_slice %arg6[%add3A_122, %dma_wait3A_190] : memref<163840x256xf32, #tpu.memory_space<hbm>> -> memref<128x256xf32, #tpu.memory_space<hbm>>
      %dma_wait3A_192 = arith.constant 0 : i32
      %dma_wait3A_193 = tpu.memref_slice %arg6[%add3A_122, %dma_wait3A_192] : memref<163840x256xf32, #tpu.memory_space<hbm>> -> memref<128x256xf32, #tpu.memory_space<hbm>>
      %dma_wait3A_194 = arith.constant 0 : i32
      %dma_wait3A_195 = arith.constant 0 : i32
      %dma_wait3A_196 = tpu.memref_slice %arg10[%dma_wait3A_185, %dma_wait3A_194, %dma_wait3A_195] : memref<2x128x256xf32, #tpu.memory_space<vmem>> -> memref<1x128x256xf32, #tpu.memory_space<vmem>>
      %dma_wait3A_197 = tpu.memref_squeeze %dma_wait3A_196 : memref<1x128x256xf32, #tpu.memory_space<vmem>> -> memref<128x256xf32, #tpu.memory_space<vmem>>
      tpu.wait_dma2 semaphore(%arg17 : memref<!tpu.dma_semaphore, #tpu.memory_space<semaphore_mem>>) src(%dma_wait3A_197 : memref<128x256xf32, #tpu.memory_space<vmem>>) dst(%dma_wait3A_193 : memref<128x256xf32, #tpu.memory_space<hbm>>)
      %dma_wait3A_198 = arith.constant 1 : i32
      %dma_wait3A_199 = arith.constant 0 : i32
      %dma_wait3A_200 = arith.constant 0 : i32
      %dma_wait3A_201 = tpu.memref_slice %arg11[%dma_wait3A_198, %dma_wait3A_199, %dma_wait3A_200] : memref<2x128x128xf32, #tpu.memory_space<vmem>> -> memref<1x128x128xf32, #tpu.memory_space<vmem>>
      %dma_wait3A_202 = tpu.memref_squeeze %dma_wait3A_201 : memref<1x128x128xf32, #tpu.memory_space<vmem>> -> memref<128x128xf32, #tpu.memory_space<vmem>>
      %dma_wait3A_203 = arith.constant 0 : i32
      %dma_wait3A_204 = tpu.memref_slice %arg7[%add3A_145, %dma_wait3A_203] : memref<163840x128xf32, #tpu.memory_space<hbm>> -> memref<128x128xf32, #tpu.memory_space<hbm>>
      %dma_wait3A_205 = arith.constant 0 : i32
      %dma_wait3A_206 = tpu.memref_slice %arg7[%add3A_145, %dma_wait3A_205] : memref<163840x128xf32, #tpu.memory_space<hbm>> -> memref<128x128xf32, #tpu.memory_space<hbm>>
      %dma_wait3A_207 = arith.constant 0 : i32
      %dma_wait3A_208 = arith.constant 0 : i32
      %dma_wait3A_209 = tpu.memref_slice %arg11[%dma_wait3A_198, %dma_wait3A_207, %dma_wait3A_208] : memref<2x128x128xf32, #tpu.memory_space<vmem>> -> memref<1x128x128xf32, #tpu.memory_space<vmem>>
      %dma_wait3A_210 = tpu.memref_squeeze %dma_wait3A_209 : memref<1x128x128xf32, #tpu.memory_space<vmem>> -> memref<128x128xf32, #tpu.memory_space<vmem>>
      tpu.wait_dma2 semaphore(%arg19 : memref<!tpu.dma_semaphore, #tpu.memory_space<semaphore_mem>>) src(%dma_wait3A_210 : memref<128x128xf32, #tpu.memory_space<vmem>>) dst(%dma_wait3A_206 : memref<128x128xf32, #tpu.memory_space<hbm>>)
    }
    %scan3A_7 = arith.constant 20 : i32
    return
  }
}

#map = affine_map<(d0, d1) -> (0, 0)>
#map1 = affine_map<(d0, d1) -> (0, 0, 0)>
#map2 = affine_map<(d0, d1) -> (0, 0, 0, 0)>
module attributes {stable_mosaic.version = 14 : i64} {
  func.func @_scatter(%arg0: i32, %arg1: i32, %arg2: memref<163840x128xf32, #tpu.memory_space<hbm>>, %arg3: memref<32x40x128xi32, #tpu.memory_space<hbm>>, %arg4: memref<625x128xf32, #tpu.memory_space<hbm>>, %arg5: memref<2x16x625x128xf32, #tpu.memory_space<hbm>>, %arg6: memref<40x128xi32, #tpu.memory_space<vmem>>, %arg7: memref<2x128x128xf32, #tpu.memory_space<vmem>>, %arg8: memref<10000x128xf32, #tpu.memory_space<vmem_shared>>, %arg9: memref<!tpu.dma_semaphore, #tpu.memory_space<semaphore_mem>>, %arg10: memref<!tpu.dma_semaphore, #tpu.memory_space<semaphore_mem>>) attributes {dimension_semantics = [#tpu.dimension_semantics<core_parallel>, #tpu.dimension_semantics<subcore_parallel>], iteration_bounds = array<i64: 2, 16>, scalar_prefetch = 0 : i64, scratch_operands = 5 : i64, tpu.core_type = #tpu.core_type<sc_vector_subcore>, window_params = [{transform_indices = #map}, {transform_indices = #map1}, {transform_indices = #map}, {transform_indices = #map2}]} {
    %mul3A = arith.constant 16 : i32
    %mul3A_0 = arith.muli %arg0, %mul3A : i32
    %add3A = arith.addi %mul3A_0, %arg1 : i32
    %mul3A_1 = arith.constant 5120 : i32
    %mul3A_2 = arith.muli %add3A, %mul3A_1 : i32
    %mul3A_3 = arith.constant 625 : i32
    %mul3A_4 = arith.muli %arg1, %mul3A_3 : i32
    "tpu.region"() ({
      %run_scoped3A = tpu.sem_alloc : memref<!tpu.dma_semaphore, #tpu.memory_space<semaphore_mem>>
      %dma_start3A = arith.constant 0 : i32
      %dma_start3A_13 = tpu.memref_slice %arg8[%mul3A_4, %dma_start3A] : memref<10000x128xf32, #tpu.memory_space<vmem_shared>> -> memref<625x128xf32, #tpu.memory_space<vmem_shared>>
      tpu.enqueue_dma source(%arg4 : memref<625x128xf32, #tpu.memory_space<hbm>>) target(%dma_start3A_13 : memref<625x128xf32, #tpu.memory_space<vmem_shared>>) target_semaphore(%run_scoped3A : memref<!tpu.dma_semaphore, #tpu.memory_space<semaphore_mem>>)
      %dma_wait3A = arith.constant 0 : i32
      %dma_wait3A_14 = tpu.memref_slice %arg8[%mul3A_4, %dma_wait3A] : memref<10000x128xf32, #tpu.memory_space<vmem_shared>> -> memref<625x128xf32, #tpu.memory_space<vmem_shared>>
      tpu.wait_dma2 semaphore(%run_scoped3A : memref<!tpu.dma_semaphore, #tpu.memory_space<semaphore_mem>>) src(%arg4 : memref<625x128xf32, #tpu.memory_space<hbm>>) dst(%dma_wait3A_14 : memref<625x128xf32, #tpu.memory_space<vmem_shared>>)
      tpu.yield
    }) : () -> ()
    "tpu.region"() ({
      %run_scoped3A = tpu.sem_alloc : memref<!tpu.dma_semaphore, #tpu.memory_space<semaphore_mem>>
      %dma_start3A = arith.constant 0 : i32
      %dma_start3A_13 = arith.constant 0 : i32
      %dma_start3A_14 = tpu.memref_slice %arg3[%add3A, %dma_start3A, %dma_start3A_13] : memref<32x40x128xi32, #tpu.memory_space<hbm>> -> memref<1x40x128xi32, #tpu.memory_space<hbm>>
      %dma_start3A_15 = tpu.memref_squeeze %dma_start3A_14 : memref<1x40x128xi32, #tpu.memory_space<hbm>> -> memref<40x128xi32, #tpu.memory_space<hbm>>
      %dma_start3A_16 = arith.constant 0 : i32
      %dma_start3A_17 = arith.constant 0 : i32
      %dma_start3A_18 = tpu.memref_slice %arg3[%add3A, %dma_start3A_16, %dma_start3A_17] : memref<32x40x128xi32, #tpu.memory_space<hbm>> -> memref<1x40x128xi32, #tpu.memory_space<hbm>>
      %dma_start3A_19 = tpu.memref_squeeze %dma_start3A_18 : memref<1x40x128xi32, #tpu.memory_space<hbm>> -> memref<40x128xi32, #tpu.memory_space<hbm>>
      tpu.enqueue_dma source(%dma_start3A_19 : memref<40x128xi32, #tpu.memory_space<hbm>>) target(%arg6 : memref<40x128xi32, #tpu.memory_space<vmem>>) target_semaphore(%run_scoped3A : memref<!tpu.dma_semaphore, #tpu.memory_space<semaphore_mem>>)
      %dma_wait3A = arith.constant 0 : i32
      %dma_wait3A_20 = arith.constant 0 : i32
      %dma_wait3A_21 = tpu.memref_slice %arg3[%add3A, %dma_wait3A, %dma_wait3A_20] : memref<32x40x128xi32, #tpu.memory_space<hbm>> -> memref<1x40x128xi32, #tpu.memory_space<hbm>>
      %dma_wait3A_22 = tpu.memref_squeeze %dma_wait3A_21 : memref<1x40x128xi32, #tpu.memory_space<hbm>> -> memref<40x128xi32, #tpu.memory_space<hbm>>
      %dma_wait3A_23 = arith.constant 0 : i32
      %dma_wait3A_24 = arith.constant 0 : i32
      %dma_wait3A_25 = tpu.memref_slice %arg3[%add3A, %dma_wait3A_23, %dma_wait3A_24] : memref<32x40x128xi32, #tpu.memory_space<hbm>> -> memref<1x40x128xi32, #tpu.memory_space<hbm>>
      %dma_wait3A_26 = tpu.memref_squeeze %dma_wait3A_25 : memref<1x40x128xi32, #tpu.memory_space<hbm>> -> memref<40x128xi32, #tpu.memory_space<hbm>>
      tpu.wait_dma2 semaphore(%run_scoped3A : memref<!tpu.dma_semaphore, #tpu.memory_space<semaphore_mem>>) src(%dma_wait3A_26 : memref<40x128xi32, #tpu.memory_space<hbm>>) dst(%arg6 : memref<40x128xi32, #tpu.memory_space<vmem>>)
      tpu.yield
    }) : () -> ()
    %barrier3A = arith.constant 0 : index
    tpu.barrier barrier_id(%barrier3A)
    %scan3A = arith.constant 0 : i32
    %scan3A_5 = arith.constant 0 : i32
    %scan3A_6 = arith.constant 20 : i32
    %scan3A_7 = arith.addi %scan3A_5, %scan3A_6 : i32
    %scan3A_8 = arith.constant 1 : i32
    scf.for %scan3A_13 = %scan3A_5 to %scan3A_7 step %scan3A_8  : i32 {
      %mul3A_14 = arith.constant 2 : i32
      %mul3A_15 = arith.muli %mul3A_14, %scan3A_13 : i32
      %add3A_16 = arith.constant 0 : i32
      %add3A_17 = arith.addi %mul3A_15, %add3A_16 : i32
      %mul3A_18 = arith.constant 128 : i32
      %mul3A_19 = arith.muli %add3A_17, %mul3A_18 : i32
      %add3A_20 = arith.addi %mul3A_2, %mul3A_19 : i32
      %dma_start3A = arith.constant 0 : i32
      %dma_start3A_21 = arith.constant 0 : i32
      %dma_start3A_22 = arith.constant 0 : i32
      %dma_start3A_23 = tpu.memref_slice %arg7[%dma_start3A, %dma_start3A_21, %dma_start3A_22] : memref<2x128x128xf32, #tpu.memory_space<vmem>> -> memref<1x128x128xf32, #tpu.memory_space<vmem>>
      %dma_start3A_24 = tpu.memref_squeeze %dma_start3A_23 : memref<1x128x128xf32, #tpu.memory_space<vmem>> -> memref<128x128xf32, #tpu.memory_space<vmem>>
      %dma_start3A_25 = arith.constant 0 : i32
      %dma_start3A_26 = tpu.memref_slice %arg2[%add3A_20, %dma_start3A_25] : memref<163840x128xf32, #tpu.memory_space<hbm>> -> memref<128x128xf32, #tpu.memory_space<hbm>>
      %dma_start3A_27 = arith.constant 0 : i32
      %dma_start3A_28 = arith.constant 0 : i32
      %dma_start3A_29 = tpu.memref_slice %arg7[%dma_start3A, %dma_start3A_27, %dma_start3A_28] : memref<2x128x128xf32, #tpu.memory_space<vmem>> -> memref<1x128x128xf32, #tpu.memory_space<vmem>>
      %dma_start3A_30 = tpu.memref_squeeze %dma_start3A_29 : memref<1x128x128xf32, #tpu.memory_space<vmem>> -> memref<128x128xf32, #tpu.memory_space<vmem>>
      %dma_start3A_31 = arith.constant 0 : i32
      %dma_start3A_32 = tpu.memref_slice %arg2[%add3A_20, %dma_start3A_31] : memref<163840x128xf32, #tpu.memory_space<hbm>> -> memref<128x128xf32, #tpu.memory_space<hbm>>
      tpu.enqueue_dma source(%dma_start3A_32 : memref<128x128xf32, #tpu.memory_space<hbm>>) target(%dma_start3A_30 : memref<128x128xf32, #tpu.memory_space<vmem>>) target_semaphore(%arg9 : memref<!tpu.dma_semaphore, #tpu.memory_space<semaphore_mem>>)
      %mul3A_33 = arith.constant 2 : i32
      %mul3A_34 = arith.muli %mul3A_33, %scan3A_13 : i32
      %add3A_35 = arith.constant 1 : i32
      %add3A_36 = arith.addi %mul3A_34, %add3A_35 : i32
      %mul3A_37 = arith.constant 128 : i32
      %mul3A_38 = arith.muli %add3A_36, %mul3A_37 : i32
      %add3A_39 = arith.addi %mul3A_2, %mul3A_38 : i32
      %dma_start3A_40 = arith.constant 1 : i32
      %dma_start3A_41 = arith.constant 0 : i32
      %dma_start3A_42 = arith.constant 0 : i32
      %dma_start3A_43 = tpu.memref_slice %arg7[%dma_start3A_40, %dma_start3A_41, %dma_start3A_42] : memref<2x128x128xf32, #tpu.memory_space<vmem>> -> memref<1x128x128xf32, #tpu.memory_space<vmem>>
      %dma_start3A_44 = tpu.memref_squeeze %dma_start3A_43 : memref<1x128x128xf32, #tpu.memory_space<vmem>> -> memref<128x128xf32, #tpu.memory_space<vmem>>
      %dma_start3A_45 = arith.constant 0 : i32
      %dma_start3A_46 = tpu.memref_slice %arg2[%add3A_39, %dma_start3A_45] : memref<163840x128xf32, #tpu.memory_space<hbm>> -> memref<128x128xf32, #tpu.memory_space<hbm>>
      %dma_start3A_47 = arith.constant 0 : i32
      %dma_start3A_48 = arith.constant 0 : i32
      %dma_start3A_49 = tpu.memref_slice %arg7[%dma_start3A_40, %dma_start3A_47, %dma_start3A_48] : memref<2x128x128xf32, #tpu.memory_space<vmem>> -> memref<1x128x128xf32, #tpu.memory_space<vmem>>
      %dma_start3A_50 = tpu.memref_squeeze %dma_start3A_49 : memref<1x128x128xf32, #tpu.memory_space<vmem>> -> memref<128x128xf32, #tpu.memory_space<vmem>>
      %dma_start3A_51 = arith.constant 0 : i32
      %dma_start3A_52 = tpu.memref_slice %arg2[%add3A_39, %dma_start3A_51] : memref<163840x128xf32, #tpu.memory_space<hbm>> -> memref<128x128xf32, #tpu.memory_space<hbm>>
      tpu.enqueue_dma source(%dma_start3A_52 : memref<128x128xf32, #tpu.memory_space<hbm>>) target(%dma_start3A_50 : memref<128x128xf32, #tpu.memory_space<vmem>>) target_semaphore(%arg10 : memref<!tpu.dma_semaphore, #tpu.memory_space<semaphore_mem>>)
      %mul3A_53 = arith.constant 2 : i32
      %mul3A_54 = arith.muli %mul3A_53, %scan3A_13 : i32
      %add3A_55 = arith.constant 0 : i32
      %add3A_56 = arith.addi %mul3A_54, %add3A_55 : i32
      %dma_wait3A = arith.constant 0 : i32
      %dma_wait3A_57 = arith.constant 0 : i32
      %dma_wait3A_58 = arith.constant 0 : i32
      %dma_wait3A_59 = tpu.memref_slice %arg7[%dma_wait3A, %dma_wait3A_57, %dma_wait3A_58] : memref<2x128x128xf32, #tpu.memory_space<vmem>> -> memref<1x128x128xf32, #tpu.memory_space<vmem>>
      %dma_wait3A_60 = tpu.memref_squeeze %dma_wait3A_59 : memref<1x128x128xf32, #tpu.memory_space<vmem>> -> memref<128x128xf32, #tpu.memory_space<vmem>>
      %dma_wait3A_61 = arith.constant 0 : i32
      %dma_wait3A_62 = tpu.memref_slice %arg2[%add3A_20, %dma_wait3A_61] : memref<163840x128xf32, #tpu.memory_space<hbm>> -> memref<128x128xf32, #tpu.memory_space<hbm>>
      %dma_wait3A_63 = arith.constant 0 : i32
      %dma_wait3A_64 = arith.constant 0 : i32
      %dma_wait3A_65 = tpu.memref_slice %arg7[%dma_wait3A, %dma_wait3A_63, %dma_wait3A_64] : memref<2x128x128xf32, #tpu.memory_space<vmem>> -> memref<1x128x128xf32, #tpu.memory_space<vmem>>
      %dma_wait3A_66 = tpu.memref_squeeze %dma_wait3A_65 : memref<1x128x128xf32, #tpu.memory_space<vmem>> -> memref<128x128xf32, #tpu.memory_space<vmem>>
      %dma_wait3A_67 = arith.constant 0 : i32
      %dma_wait3A_68 = tpu.memref_slice %arg2[%add3A_20, %dma_wait3A_67] : memref<163840x128xf32, #tpu.memory_space<hbm>> -> memref<128x128xf32, #tpu.memory_space<hbm>>
      tpu.wait_dma2 semaphore(%arg9 : memref<!tpu.dma_semaphore, #tpu.memory_space<semaphore_mem>>) src(%dma_wait3A_68 : memref<128x128xf32, #tpu.memory_space<hbm>>) dst(%dma_wait3A_66 : memref<128x128xf32, #tpu.memory_space<vmem>>)
      %run_scoped3A = arith.constant 0 : i32
      "tpu.region"() ({
        %run_scoped3A_87 = tpu.sem_alloc : memref<!tpu.dma_semaphore, #tpu.memory_space<semaphore_mem>>
        %dma_start3A_88 = arith.constant 0 : i32
        %dma_start3A_89 = arith.constant 0 : i32
        %dma_start3A_90 = tpu.memref_slice %arg7[%run_scoped3A, %dma_start3A_88, %dma_start3A_89] : memref<2x128x128xf32, #tpu.memory_space<vmem>> -> memref<1x128x128xf32, #tpu.memory_space<vmem>>
        %dma_start3A_91 = tpu.memref_squeeze %dma_start3A_90 : memref<1x128x128xf32, #tpu.memory_space<vmem>> -> memref<128x128xf32, #tpu.memory_space<vmem>>
        %dma_start3A_92 = arith.constant 0 : i32
        %dma_start3A_93 = tpu.memref_slice %arg6[%add3A_56, %dma_start3A_92] : memref<40x128xi32, #tpu.memory_space<vmem>> -> memref<1x128xi32, #tpu.memory_space<vmem>>
        %dma_start3A_94 = tpu.memref_squeeze %dma_start3A_93 : memref<1x128xi32, #tpu.memory_space<vmem>> -> memref<128xi32, #tpu.memory_space<vmem>>
        %dma_start3A_95 = arith.constant 0 : i32
        %dma_start3A_96 = arith.constant 0 : i32
        %dma_start3A_97 = tpu.memref_slice %arg8[%dma_start3A_95, %dma_start3A_96] : memref<10000x128xf32, #tpu.memory_space<vmem_shared>> -> memref<10000x128xf32, #tpu.memory_space<vmem_shared>>
        tpu.enqueue_indirect_dma source(%dma_start3A_91 : memref<128x128xf32, #tpu.memory_space<vmem>>) target(%dma_start3A_97 : memref<10000x128xf32, #tpu.memory_space<vmem_shared>>) offsets(%dma_start3A_94 : memref<128xi32, #tpu.memory_space<vmem>>) semaphore(%run_scoped3A_87 : memref<!tpu.dma_semaphore, #tpu.memory_space<semaphore_mem>>) {add = true}
        %dma_wait3A_98 = arith.constant 0 : i32
        %dma_wait3A_99 = arith.constant 0 : i32
        %dma_wait3A_100 = tpu.memref_slice %arg7[%run_scoped3A, %dma_wait3A_98, %dma_wait3A_99] : memref<2x128x128xf32, #tpu.memory_space<vmem>> -> memref<1x128x128xf32, #tpu.memory_space<vmem>>
        %dma_wait3A_101 = tpu.memref_squeeze %dma_wait3A_100 : memref<1x128x128xf32, #tpu.memory_space<vmem>> -> memref<128x128xf32, #tpu.memory_space<vmem>>
        %dma_wait3A_102 = arith.constant 0 : i32
        %dma_wait3A_103 = tpu.memref_slice %arg6[%add3A_56, %dma_wait3A_102] : memref<40x128xi32, #tpu.memory_space<vmem>> -> memref<1x128xi32, #tpu.memory_space<vmem>>
        %dma_wait3A_104 = tpu.memref_squeeze %dma_wait3A_103 : memref<1x128xi32, #tpu.memory_space<vmem>> -> memref<128xi32, #tpu.memory_space<vmem>>
        %dma_wait3A_105 = arith.constant 0 : i32
        %dma_wait3A_106 = arith.constant 0 : i32
        %dma_wait3A_107 = tpu.memref_slice %arg8[%dma_wait3A_105, %dma_wait3A_106] : memref<10000x128xf32, #tpu.memory_space<vmem_shared>> -> memref<10000x128xf32, #tpu.memory_space<vmem_shared>>
        tpu.wait_indirect_dma semaphore(%run_scoped3A_87 : memref<!tpu.dma_semaphore, #tpu.memory_space<semaphore_mem>>) src(%dma_wait3A_101 : memref<128x128xf32, #tpu.memory_space<vmem>>) dst(%dma_wait3A_107 : memref<10000x128xf32, #tpu.memory_space<vmem_shared>>)
        tpu.yield
      }) : () -> ()
      %mul3A_69 = arith.constant 2 : i32
      %mul3A_70 = arith.muli %mul3A_69, %scan3A_13 : i32
      %add3A_71 = arith.constant 1 : i32
      %add3A_72 = arith.addi %mul3A_70, %add3A_71 : i32
      %dma_wait3A_73 = arith.constant 1 : i32
      %dma_wait3A_74 = arith.constant 0 : i32
      %dma_wait3A_75 = arith.constant 0 : i32
      %dma_wait3A_76 = tpu.memref_slice %arg7[%dma_wait3A_73, %dma_wait3A_74, %dma_wait3A_75] : memref<2x128x128xf32, #tpu.memory_space<vmem>> -> memref<1x128x128xf32, #tpu.memory_space<vmem>>
      %dma_wait3A_77 = tpu.memref_squeeze %dma_wait3A_76 : memref<1x128x128xf32, #tpu.memory_space<vmem>> -> memref<128x128xf32, #tpu.memory_space<vmem>>
      %dma_wait3A_78 = arith.constant 0 : i32
      %dma_wait3A_79 = tpu.memref_slice %arg2[%add3A_39, %dma_wait3A_78] : memref<163840x128xf32, #tpu.memory_space<hbm>> -> memref<128x128xf32, #tpu.memory_space<hbm>>
      %dma_wait3A_80 = arith.constant 0 : i32
      %dma_wait3A_81 = arith.constant 0 : i32
      %dma_wait3A_82 = tpu.memref_slice %arg7[%dma_wait3A_73, %dma_wait3A_80, %dma_wait3A_81] : memref<2x128x128xf32, #tpu.memory_space<vmem>> -> memref<1x128x128xf32, #tpu.memory_space<vmem>>
      %dma_wait3A_83 = tpu.memref_squeeze %dma_wait3A_82 : memref<1x128x128xf32, #tpu.memory_space<vmem>> -> memref<128x128xf32, #tpu.memory_space<vmem>>
      %dma_wait3A_84 = arith.constant 0 : i32
      %dma_wait3A_85 = tpu.memref_slice %arg2[%add3A_39, %dma_wait3A_84] : memref<163840x128xf32, #tpu.memory_space<hbm>> -> memref<128x128xf32, #tpu.memory_space<hbm>>
      tpu.wait_dma2 semaphore(%arg10 : memref<!tpu.dma_semaphore, #tpu.memory_space<semaphore_mem>>) src(%dma_wait3A_85 : memref<128x128xf32, #tpu.memory_space<hbm>>) dst(%dma_wait3A_83 : memref<128x128xf32, #tpu.memory_space<vmem>>)
      %run_scoped3A_86 = arith.constant 1 : i32
      "tpu.region"() ({
        %run_scoped3A_87 = tpu.sem_alloc : memref<!tpu.dma_semaphore, #tpu.memory_space<semaphore_mem>>
        %dma_start3A_88 = arith.constant 0 : i32
        %dma_start3A_89 = arith.constant 0 : i32
        %dma_start3A_90 = tpu.memref_slice %arg7[%run_scoped3A_86, %dma_start3A_88, %dma_start3A_89] : memref<2x128x128xf32, #tpu.memory_space<vmem>> -> memref<1x128x128xf32, #tpu.memory_space<vmem>>
        %dma_start3A_91 = tpu.memref_squeeze %dma_start3A_90 : memref<1x128x128xf32, #tpu.memory_space<vmem>> -> memref<128x128xf32, #tpu.memory_space<vmem>>
        %dma_start3A_92 = arith.constant 0 : i32
        %dma_start3A_93 = tpu.memref_slice %arg6[%add3A_72, %dma_start3A_92] : memref<40x128xi32, #tpu.memory_space<vmem>> -> memref<1x128xi32, #tpu.memory_space<vmem>>
        %dma_start3A_94 = tpu.memref_squeeze %dma_start3A_93 : memref<1x128xi32, #tpu.memory_space<vmem>> -> memref<128xi32, #tpu.memory_space<vmem>>
        %dma_start3A_95 = arith.constant 0 : i32
        %dma_start3A_96 = arith.constant 0 : i32
        %dma_start3A_97 = tpu.memref_slice %arg8[%dma_start3A_95, %dma_start3A_96] : memref<10000x128xf32, #tpu.memory_space<vmem_shared>> -> memref<10000x128xf32, #tpu.memory_space<vmem_shared>>
        tpu.enqueue_indirect_dma source(%dma_start3A_91 : memref<128x128xf32, #tpu.memory_space<vmem>>) target(%dma_start3A_97 : memref<10000x128xf32, #tpu.memory_space<vmem_shared>>) offsets(%dma_start3A_94 : memref<128xi32, #tpu.memory_space<vmem>>) semaphore(%run_scoped3A_87 : memref<!tpu.dma_semaphore, #tpu.memory_space<semaphore_mem>>) {add = true}
        %dma_wait3A_98 = arith.constant 0 : i32
        %dma_wait3A_99 = arith.constant 0 : i32
        %dma_wait3A_100 = tpu.memref_slice %arg7[%run_scoped3A_86, %dma_wait3A_98, %dma_wait3A_99] : memref<2x128x128xf32, #tpu.memory_space<vmem>> -> memref<1x128x128xf32, #tpu.memory_space<vmem>>
        %dma_wait3A_101 = tpu.memref_squeeze %dma_wait3A_100 : memref<1x128x128xf32, #tpu.memory_space<vmem>> -> memref<128x128xf32, #tpu.memory_space<vmem>>
        %dma_wait3A_102 = arith.constant 0 : i32
        %dma_wait3A_103 = tpu.memref_slice %arg6[%add3A_72, %dma_wait3A_102] : memref<40x128xi32, #tpu.memory_space<vmem>> -> memref<1x128xi32, #tpu.memory_space<vmem>>
        %dma_wait3A_104 = tpu.memref_squeeze %dma_wait3A_103 : memref<1x128xi32, #tpu.memory_space<vmem>> -> memref<128xi32, #tpu.memory_space<vmem>>
        %dma_wait3A_105 = arith.constant 0 : i32
        %dma_wait3A_106 = arith.constant 0 : i32
        %dma_wait3A_107 = tpu.memref_slice %arg8[%dma_wait3A_105, %dma_wait3A_106] : memref<10000x128xf32, #tpu.memory_space<vmem_shared>> -> memref<10000x128xf32, #tpu.memory_space<vmem_shared>>
        tpu.wait_indirect_dma semaphore(%run_scoped3A_87 : memref<!tpu.dma_semaphore, #tpu.memory_space<semaphore_mem>>) src(%dma_wait3A_101 : memref<128x128xf32, #tpu.memory_space<vmem>>) dst(%dma_wait3A_107 : memref<10000x128xf32, #tpu.memory_space<vmem_shared>>)
        tpu.yield
      }) : () -> ()
    }
    %scan3A_9 = arith.constant 20 : i32
    %barrier3A_10 = arith.constant 0 : index
    tpu.barrier barrier_id(%barrier3A_10)
    %mul3A_11 = arith.constant 625 : i32
    %mul3A_12 = arith.muli %arg1, %mul3A_11 : i32
    "tpu.region"() ({
      %run_scoped3A = tpu.sem_alloc : memref<!tpu.dma_semaphore, #tpu.memory_space<semaphore_mem>>
      %dma_start3A = arith.constant 0 : i32
      %dma_start3A_13 = arith.constant 0 : i32
      %dma_start3A_14 = tpu.memref_slice %arg5[%arg0, %arg1, %dma_start3A, %dma_start3A_13] : memref<2x16x625x128xf32, #tpu.memory_space<hbm>> -> memref<1x1x625x128xf32, #tpu.memory_space<hbm>>
      %dma_start3A_15 = tpu.memref_squeeze %dma_start3A_14 : memref<1x1x625x128xf32, #tpu.memory_space<hbm>> -> memref<625x128xf32, #tpu.memory_space<hbm>>
      %dma_start3A_16 = arith.constant 0 : i32
      %dma_start3A_17 = tpu.memref_slice %arg8[%mul3A_12, %dma_start3A_16] : memref<10000x128xf32, #tpu.memory_space<vmem_shared>> -> memref<625x128xf32, #tpu.memory_space<vmem_shared>>
      tpu.enqueue_dma source(%dma_start3A_17 : memref<625x128xf32, #tpu.memory_space<vmem_shared>>) target(%dma_start3A_15 : memref<625x128xf32, #tpu.memory_space<hbm>>) target_semaphore(%run_scoped3A : memref<!tpu.dma_semaphore, #tpu.memory_space<semaphore_mem>>)
      %dma_wait3A = arith.constant 0 : i32
      %dma_wait3A_18 = arith.constant 0 : i32
      %dma_wait3A_19 = tpu.memref_slice %arg5[%arg0, %arg1, %dma_wait3A, %dma_wait3A_18] : memref<2x16x625x128xf32, #tpu.memory_space<hbm>> -> memref<1x1x625x128xf32, #tpu.memory_space<hbm>>
      %dma_wait3A_20 = tpu.memref_squeeze %dma_wait3A_19 : memref<1x1x625x128xf32, #tpu.memory_space<hbm>> -> memref<625x128xf32, #tpu.memory_space<hbm>>
      %dma_wait3A_21 = arith.constant 0 : i32
      %dma_wait3A_22 = tpu.memref_slice %arg8[%mul3A_12, %dma_wait3A_21] : memref<10000x128xf32, #tpu.memory_space<vmem_shared>> -> memref<625x128xf32, #tpu.memory_space<vmem_shared>>
      tpu.wait_dma2 semaphore(%run_scoped3A : memref<!tpu.dma_semaphore, #tpu.memory_space<semaphore_mem>>) src(%dma_wait3A_22 : memref<625x128xf32, #tpu.memory_space<vmem_shared>>) dst(%dma_wait3A_20 : memref<625x128xf32, #tpu.memory_space<hbm>>)
      tpu.yield
    }) : () -> ()
    return
  }
}

module attributes {stable_mosaic.version = 14 : i64} {
  func.func @_node_body(%arg0: i32, %arg1: memref<1000x128xf32, #tpu.memory_space<vmem>>, %arg2: memref<128x128xf32, #tpu.memory_space<vmem>>, %arg3: memref<128x128xf32, #tpu.memory_space<vmem>>, %arg4: memref<128x128xf32, #tpu.memory_space<vmem>>, %arg5: memref<128x128xf32, #tpu.memory_space<vmem>>, %arg6: memref<1000x256xf32, #tpu.memory_space<vmem>>, %arg7: memref<1000x128xf32, #tpu.memory_space<vmem>>) attributes {dimension_semantics = [#tpu.dimension_semantics<arbitrary>], iteration_bounds = array<i64: 10>, scalar_prefetch = 0 : i64, scratch_operands = 0 : i64, tpu.core_type = #tpu.core_type<tc>, window_params = [{transform_indices = @transform_0, window_bounds = array<i64: 1000, 128>}, {pipeline_mode = #tpu.pipeline_mode<synchronous>, transform_indices = @transform_1, window_bounds = array<i64: 128, 128>}, {pipeline_mode = #tpu.pipeline_mode<synchronous>, transform_indices = @transform_2, window_bounds = array<i64: 128, 128>}, {pipeline_mode = #tpu.pipeline_mode<synchronous>, transform_indices = @transform_3, window_bounds = array<i64: 128, 128>}, {pipeline_mode = #tpu.pipeline_mode<synchronous>, transform_indices = @transform_4, window_bounds = array<i64: 128, 128>}, {transform_indices = @transform_5, window_bounds = array<i64: 1000, 256>}, {transform_indices = @transform_6, window_bounds = array<i64: 1000, 128>}]} {
    %get3A = arith.constant 0 : index
    %get3A_0 = arith.constant 0 : index
    %get3A_1 = vector.load %arg1[%get3A, %get3A_0] : memref<1000x128xf32, #tpu.memory_space<vmem>>, vector<1000x128xf32>
    %get3A_2 = arith.constant 0 : index
    %get3A_3 = arith.constant 0 : index
    %get3A_4 = vector.load %arg2[%get3A_2, %get3A_3] : memref<128x128xf32, #tpu.memory_space<vmem>>, vector<128x128xf32>
    %dot_general3A = arith.constant dense<0.000000e+00> : vector<1000x128xf32>
    %dot_general3A_5 = tpu.matmul %get3A_1, %get3A_4, %dot_general3A {dimension_numbers = #tpu.dot_dimension_numbers<[1], [0], [0], [1], [0, 0, 1, 1], [], []>, transpose_lhs_hint = false} : vector<1000x128xf32>, vector<128x128xf32>, vector<1000x128xf32> -> vector<1000x128xf32>
    %get3A_6 = arith.constant 0 : index
    %get3A_7 = arith.constant 0 : index
    %get3A_8 = vector.load %arg4[%get3A_6, %get3A_7] : memref<128x128xf32, #tpu.memory_space<vmem>>, vector<128x128xf32>
    %dot_general3A_9 = arith.constant dense<0.000000e+00> : vector<1000x128xf32>
    %dot_general3A_10 = tpu.matmul %dot_general3A_5, %get3A_8, %dot_general3A_9 {dimension_numbers = #tpu.dot_dimension_numbers<[1], [0], [0], [1], [0, 0, 1, 1], [], []>, transpose_lhs_hint = false} : vector<1000x128xf32>, vector<128x128xf32>, vector<1000x128xf32> -> vector<1000x128xf32>
    %swap3A = arith.constant 0 : index
    %swap3A_11 = arith.constant 0 : index
    %swap3A_12 = vector.load %arg6[%swap3A, %swap3A_11] : memref<1000x256xf32, #tpu.memory_space<vmem>>, vector<1000x128xf32>
    tpu.vector_store %arg6[%swap3A, %swap3A_11], %dot_general3A_10 {strides = array<i32>} : memref<1000x256xf32, #tpu.memory_space<vmem>>, vector<1000x128xf32>,
    %get3A_13 = arith.constant 0 : index
    %get3A_14 = arith.constant 0 : index
    %get3A_15 = vector.load %arg3[%get3A_13, %get3A_14] : memref<128x128xf32, #tpu.memory_space<vmem>>, vector<128x128xf32>
    %dot_general3A_16 = arith.constant dense<0.000000e+00> : vector<1000x128xf32>
    %dot_general3A_17 = tpu.matmul %get3A_1, %get3A_15, %dot_general3A_16 {dimension_numbers = #tpu.dot_dimension_numbers<[1], [0], [0], [1], [0, 0, 1, 1], [], []>, transpose_lhs_hint = false} : vector<1000x128xf32>, vector<128x128xf32>, vector<1000x128xf32> -> vector<1000x128xf32>
    %swap3A_18 = arith.constant 0 : index
    %swap3A_19 = arith.constant 128 : index
    %swap3A_20 = vector.load %arg6[%swap3A_18, %swap3A_19] : memref<1000x256xf32, #tpu.memory_space<vmem>>, vector<1000x128xf32>
    tpu.vector_store %arg6[%swap3A_18, %swap3A_19], %dot_general3A_17 {strides = array<i32>} : memref<1000x256xf32, #tpu.memory_space<vmem>>, vector<1000x128xf32>,
    %get3A_21 = arith.constant 0 : index
    %get3A_22 = arith.constant 0 : index
    %get3A_23 = vector.load %arg5[%get3A_21, %get3A_22] : memref<128x128xf32, #tpu.memory_space<vmem>>, vector<128x128xf32>
    %dot_general3A_24 = arith.constant dense<0.000000e+00> : vector<1000x128xf32>
    %dot_general3A_25 = tpu.matmul %dot_general3A_5, %get3A_23, %dot_general3A_24 {dimension_numbers = #tpu.dot_dimension_numbers<[1], [0], [0], [1], [0, 0, 1, 1], [], []>, transpose_lhs_hint = false} : vector<1000x128xf32>, vector<128x128xf32>, vector<1000x128xf32> -> vector<1000x128xf32>
    %swap3A_26 = arith.constant 0 : index
    %swap3A_27 = arith.constant 0 : index
    %swap3A_28 = vector.load %arg7[%swap3A_26, %swap3A_27] : memref<1000x128xf32, #tpu.memory_space<vmem>>, vector<1000x128xf32>
    tpu.vector_store %arg7[%swap3A_26, %swap3A_27], %dot_general3A_25 {strides = array<i32>} : memref<1000x128xf32, #tpu.memory_space<vmem>>, vector<1000x128xf32>,
    return
  }
  func.func @transform_0(%arg0: i32) -> (i32, i32) {
    %c0_i32 = arith.constant 0 : i32
    %c0_i32_0 = arith.constant 0 : i32
    return %arg0, %c0_i32 : i32, i32
  }
  func.func @transform_1(%arg0: i32) -> (i32, i32) {
    %c0_i32 = arith.constant 0 : i32
    %c0_i32_0 = arith.constant 0 : i32
    %c0_i32_1 = arith.constant 0 : i32
    return %c0_i32, %c0_i32_0 : i32, i32
  }
  func.func @transform_2(%arg0: i32) -> (i32, i32) {
    %c0_i32 = arith.constant 0 : i32
    %c0_i32_0 = arith.constant 0 : i32
    %c0_i32_1 = arith.constant 0 : i32
    return %c0_i32, %c0_i32_0 : i32, i32
  }
  func.func @transform_3(%arg0: i32) -> (i32, i32) {
    %c0_i32 = arith.constant 0 : i32
    %c0_i32_0 = arith.constant 0 : i32
    %c0_i32_1 = arith.constant 0 : i32
    return %c0_i32, %c0_i32_0 : i32, i32
  }
  func.func @transform_4(%arg0: i32) -> (i32, i32) {
    %c0_i32 = arith.constant 0 : i32
    %c0_i32_0 = arith.constant 0 : i32
    %c0_i32_1 = arith.constant 0 : i32
    return %c0_i32, %c0_i32_0 : i32, i32
  }
  func.func @transform_5(%arg0: i32) -> (i32, i32) {
    %c0_i32 = arith.constant 0 : i32
    %c0_i32_0 = arith.constant 0 : i32
    return %arg0, %c0_i32 : i32, i32
  }
  func.func @transform_6(%arg0: i32) -> (i32, i32) {
    %c0_i32 = arith.constant 0 : i32
    %c0_i32_0 = arith.constant 0 : i32
    return %arg0, %c0_i32 : i32, i32
  }
}

module attributes {stable_mosaic.version = 14 : i64} {
  func.func @_edge_body(%arg0: i32, %arg1: memref<1024x256xf32, #tpu.memory_space<vmem>>, %arg2: memref<1024x128xf32, #tpu.memory_space<vmem>>, %arg3: memref<1024x8xf32, #tpu.memory_space<vmem>>, %arg4: memref<1024x1xf32, #tpu.memory_space<vmem>>, %arg5: memref<1024x4xf32, #tpu.memory_space<vmem>>, %arg6: memref<8x128xf32, #tpu.memory_space<vmem>>, %arg7: memref<1x128xf32, #tpu.memory_space<vmem>>, %arg8: memref<1x128xf32, #tpu.memory_space<vmem>>, %arg9: memref<128x128xf32, #tpu.memory_space<vmem>>, %arg10: memref<1x128xf32, #tpu.memory_space<vmem>>, %arg11: memref<128x512xf32, #tpu.memory_space<vmem>>, %arg12: memref<4x128x128xf32, #tpu.memory_space<vmem>>, %arg13: memref<1024x128xf32, #tpu.memory_space<vmem>>) attributes {dimension_semantics = [#tpu.dimension_semantics<arbitrary>], iteration_bounds = array<i64: 160>, scalar_prefetch = 0 : i64, scratch_operands = 0 : i64, tpu.core_type = #tpu.core_type<tc>, window_params = [{transform_indices = @transform_0, window_bounds = array<i64: 1024, 256>}, {transform_indices = @transform_1, window_bounds = array<i64: 1024, 128>}, {transform_indices = @transform_2, window_bounds = array<i64: 1024, 8>}, {transform_indices = @transform_3, window_bounds = array<i64: 1024, 1>}, {transform_indices = @transform_4, window_bounds = array<i64: 1024, 4>}, {pipeline_mode = #tpu.pipeline_mode<synchronous>, transform_indices = @transform_5, window_bounds = array<i64: 8, 128>}, {pipeline_mode = #tpu.pipeline_mode<synchronous>, transform_indices = @transform_6, window_bounds = array<i64: 1, 128>}, {pipeline_mode = #tpu.pipeline_mode<synchronous>, transform_indices = @transform_7, window_bounds = array<i64: 1, 128>}, {pipeline_mode = #tpu.pipeline_mode<synchronous>, transform_indices = @transform_8, window_bounds = array<i64: 128, 128>}, {pipeline_mode = #tpu.pipeline_mode<synchronous>, transform_indices = @transform_9, window_bounds = array<i64: 1, 128>}, {pipeline_mode = #tpu.pipeline_mode<synchronous>, transform_indices = @transform_10, window_bounds = array<i64: 128, 512>}, {pipeline_mode = #tpu.pipeline_mode<synchronous>, transform_indices = @transform_11, window_bounds = array<i64: 4, 128, 128>}, {transform_indices = @transform_12, window_bounds = array<i64: 1024, 128>}]} {
    %get3A = arith.constant 0 : index
    %get3A_0 = arith.constant 0 : index
    %get3A_1 = vector.load %arg1[%get3A, %get3A_0] : memref<1024x256xf32, #tpu.memory_space<vmem>>, vector<1024x128xf32>
    %get3A_2 = arith.constant 0 : index
    %get3A_3 = arith.constant 128 : index
    %get3A_4 = vector.load %arg1[%get3A_2, %get3A_3] : memref<1024x256xf32, #tpu.memory_space<vmem>>, vector<1024x128xf32>
    %get3A_5 = arith.constant 0 : index
    %get3A_6 = arith.constant 0 : index
    %get3A_7 = vector.load %arg2[%get3A_5, %get3A_6] : memref<1024x128xf32, #tpu.memory_space<vmem>>, vector<1024x128xf32>
    %add3A = arith.addf %get3A_1, %get3A_7 : vector<1024x128xf32>
    %get3A_8 = arith.constant 0 : index
    %get3A_9 = arith.constant 0 : index
    %get3A_10 = vector.load %arg8[%get3A_8, %get3A_9] : memref<1x128xf32, #tpu.memory_space<vmem>>, vector<1x128xf32>
    %add3A_11 = vector.broadcast %get3A_10 : vector<1x128xf32> to vector<1024x128xf32>
    %add3A_12 = arith.addf %add3A, %add3A_11 : vector<1024x128xf32>
    %get3A_13 = arith.constant 0 : index
    %get3A_14 = arith.constant 0 : index
    %get3A_15 = vector.load %arg3[%get3A_13, %get3A_14] : memref<1024x8xf32, #tpu.memory_space<vmem>>, vector<1024x8xf32>
    %get3A_16 = arith.constant 0 : index
    %get3A_17 = arith.constant 0 : index
    %get3A_18 = vector.load %arg6[%get3A_16, %get3A_17] : memref<8x128xf32, #tpu.memory_space<vmem>>, vector<8x128xf32>
    %dot_general3A = arith.constant dense<0.000000e+00> : vector<1024x128xf32>
    %dot_general3A_19 = tpu.matmul %get3A_15, %get3A_18, %dot_general3A {dimension_numbers = #tpu.dot_dimension_numbers<[1], [0], [0], [1], [0, 0, 1, 1], [], []>, transpose_lhs_hint = false} : vector<1024x8xf32>, vector<8x128xf32>, vector<1024x128xf32> -> vector<1024x128xf32>
    %add3A_20 = arith.addf %add3A_12, %dot_general3A_19 : vector<1024x128xf32>
    %get3A_21 = arith.constant 0 : index
    %get3A_22 = arith.constant 0 : index
    %get3A_23 = vector.load %arg4[%get3A_21, %get3A_22] : memref<1024x1xf32, #tpu.memory_space<vmem>>, vector<1024x1xf32>
    %get3A_24 = arith.constant 0 : index
    %get3A_25 = arith.constant 0 : index
    %get3A_26 = vector.load %arg7[%get3A_24, %get3A_25] : memref<1x128xf32, #tpu.memory_space<vmem>>, vector<1x128xf32>
    %mul3A = vector.broadcast %get3A_23 : vector<1024x1xf32> to vector<1024x128xf32>
    %mul3A_27 = vector.broadcast %get3A_26 : vector<1x128xf32> to vector<1024x128xf32>
    %mul3A_28 = arith.mulf %mul3A, %mul3A_27 : vector<1024x128xf32>
    %add3A_29 = arith.addf %add3A_20, %mul3A_28 : vector<1024x128xf32>
    %logistic3A = arith.negf %add3A_29 : vector<1024x128xf32>
    %logistic3A_30 = math.exp %logistic3A : vector<1024x128xf32>
    %logistic3A_31 = arith.constant 1.000000e+00 : f32
    %logistic3A_32 = vector.broadcast %logistic3A_31 : f32 to vector<1024x128xf32>
    %logistic3A_33 = arith.addf %logistic3A_32, %logistic3A_30 : vector<1024x128xf32>
    %logistic3A_34 = arith.divf %logistic3A_32, %logistic3A_33 : vector<1024x128xf32>
    %mul3A_35 = arith.mulf %add3A_29, %logistic3A_34 : vector<1024x128xf32>
    %get3A_36 = arith.constant 0 : index
    %get3A_37 = arith.constant 0 : index
    %get3A_38 = vector.load %arg9[%get3A_36, %get3A_37] : memref<128x128xf32, #tpu.memory_space<vmem>>, vector<128x128xf32>
    %dot_general3A_39 = arith.constant dense<0.000000e+00> : vector<1024x128xf32>
    %dot_general3A_40 = tpu.matmul %mul3A_35, %get3A_38, %dot_general3A_39 {dimension_numbers = #tpu.dot_dimension_numbers<[1], [0], [0], [1], [0, 0, 1, 1], [], []>, transpose_lhs_hint = false} : vector<1024x128xf32>, vector<128x128xf32>, vector<1024x128xf32> -> vector<1024x128xf32>
    %get3A_41 = arith.constant 0 : index
    %get3A_42 = arith.constant 0 : index
    %get3A_43 = vector.load %arg10[%get3A_41, %get3A_42] : memref<1x128xf32, #tpu.memory_space<vmem>>, vector<1x128xf32>
    %add3A_44 = vector.broadcast %get3A_43 : vector<1x128xf32> to vector<1024x128xf32>
    %add3A_45 = arith.addf %dot_general3A_40, %add3A_44 : vector<1024x128xf32>
    %logistic3A_46 = arith.negf %add3A_45 : vector<1024x128xf32>
    %logistic3A_47 = math.exp %logistic3A_46 : vector<1024x128xf32>
    %logistic3A_48 = arith.constant 1.000000e+00 : f32
    %logistic3A_49 = vector.broadcast %logistic3A_48 : f32 to vector<1024x128xf32>
    %logistic3A_50 = arith.addf %logistic3A_49, %logistic3A_47 : vector<1024x128xf32>
    %logistic3A_51 = arith.divf %logistic3A_49, %logistic3A_50 : vector<1024x128xf32>
    %mul3A_52 = arith.mulf %add3A_45, %logistic3A_51 : vector<1024x128xf32>
    %get3A_53 = arith.constant 0 : index
    %get3A_54 = arith.constant 0 : index
    %get3A_55 = vector.load %arg11[%get3A_53, %get3A_54] : memref<128x512xf32, #tpu.memory_space<vmem>>, vector<128x512xf32>
    %dot_general3A_56 = arith.constant dense<0.000000e+00> : vector<1024x512xf32>
    %dot_general3A_57 = tpu.matmul %mul3A_52, %get3A_55, %dot_general3A_56 {dimension_numbers = #tpu.dot_dimension_numbers<[1], [0], [0], [1], [0, 0, 1, 1], [], []>, transpose_lhs_hint = false} : vector<1024x128xf32>, vector<128x512xf32>, vector<1024x512xf32> -> vector<1024x512xf32>
    %slice3A = vector.extract_strided_slice %dot_general3A_57 {offsets = [0, 0], sizes = [1024, 128], strides = [1, 1]} : vector<1024x512xf32> to vector<1024x128xf32>
    %mul3A_58 = arith.mulf %get3A_4, %slice3A : vector<1024x128xf32>
    %get3A_59 = arith.constant 0 : index
    %get3A_60 = arith.constant 0 : index
    %get3A_61 = vector.load %arg5[%get3A_59, %get3A_60] : memref<1024x4xf32, #tpu.memory_space<vmem>>, vector<1024x1xf32>
    %mul3A_62 = vector.broadcast %get3A_61 : vector<1024x1xf32> to vector<1024x128xf32>
    %mul3A_63 = arith.mulf %mul3A_58, %mul3A_62 : vector<1024x128xf32>
    %get3A_64 = arith.constant 0 : index
    %get3A_65 = arith.constant 0 : index
    %get3A_66 = arith.constant 0 : index
    %get3A_67 = vector.load %arg12[%get3A_64, %get3A_65, %get3A_66] : memref<4x128x128xf32, #tpu.memory_space<vmem>>, vector<1x128x128xf32>
    %get3A_68 = vector.shape_cast %get3A_67 : vector<1x128x128xf32> to vector<128x128xf32>
    %dot_general3A_69 = arith.constant dense<0.000000e+00> : vector<1024x128xf32>
    %dot_general3A_70 = tpu.matmul %mul3A_63, %get3A_68, %dot_general3A_69 {dimension_numbers = #tpu.dot_dimension_numbers<[1], [0], [0], [1], [0, 0, 1, 1], [], []>, transpose_lhs_hint = false} : vector<1024x128xf32>, vector<128x128xf32>, vector<1024x128xf32> -> vector<1024x128xf32>
    %slice3A_71 = vector.extract_strided_slice %dot_general3A_57 {offsets = [0, 128], sizes = [1024, 128], strides = [1, 1]} : vector<1024x512xf32> to vector<1024x128xf32>
    %mul3A_72 = arith.mulf %get3A_4, %slice3A_71 : vector<1024x128xf32>
    %get3A_73 = arith.constant 0 : index
    %get3A_74 = arith.constant 1 : index
    %get3A_75 = vector.load %arg5[%get3A_73, %get3A_74] : memref<1024x4xf32, #tpu.memory_space<vmem>>, vector<1024x1xf32>
    %mul3A_76 = vector.broadcast %get3A_75 : vector<1024x1xf32> to vector<1024x128xf32>
    %mul3A_77 = arith.mulf %mul3A_72, %mul3A_76 : vector<1024x128xf32>
    %get3A_78 = arith.constant 1 : index
    %get3A_79 = arith.constant 0 : index
    %get3A_80 = arith.constant 0 : index
    %get3A_81 = vector.load %arg12[%get3A_78, %get3A_79, %get3A_80] : memref<4x128x128xf32, #tpu.memory_space<vmem>>, vector<1x128x128xf32>
    %get3A_82 = vector.shape_cast %get3A_81 : vector<1x128x128xf32> to vector<128x128xf32>
    %dot_general3A_83 = arith.constant dense<0.000000e+00> : vector<1024x128xf32>
    %dot_general3A_84 = tpu.matmul %mul3A_77, %get3A_82, %dot_general3A_83 {dimension_numbers = #tpu.dot_dimension_numbers<[1], [0], [0], [1], [0, 0, 1, 1], [], []>, transpose_lhs_hint = false} : vector<1024x128xf32>, vector<128x128xf32>, vector<1024x128xf32> -> vector<1024x128xf32>
    %add3A_85 = arith.addf %dot_general3A_70, %dot_general3A_84 : vector<1024x128xf32>
    %slice3A_86 = vector.extract_strided_slice %dot_general3A_57 {offsets = [0, 256], sizes = [1024, 128], strides = [1, 1]} : vector<1024x512xf32> to vector<1024x128xf32>
    %mul3A_87 = arith.mulf %get3A_4, %slice3A_86 : vector<1024x128xf32>
    %get3A_88 = arith.constant 0 : index
    %get3A_89 = arith.constant 2 : index
    %get3A_90 = vector.load %arg5[%get3A_88, %get3A_89] : memref<1024x4xf32, #tpu.memory_space<vmem>>, vector<1024x1xf32>
    %mul3A_91 = vector.broadcast %get3A_90 : vector<1024x1xf32> to vector<1024x128xf32>
    %mul3A_92 = arith.mulf %mul3A_87, %mul3A_91 : vector<1024x128xf32>
    %get3A_93 = arith.constant 2 : index
    %get3A_94 = arith.constant 0 : index
    %get3A_95 = arith.constant 0 : index
    %get3A_96 = vector.load %arg12[%get3A_93, %get3A_94, %get3A_95] : memref<4x128x128xf32, #tpu.memory_space<vmem>>, vector<1x128x128xf32>
    %get3A_97 = vector.shape_cast %get3A_96 : vector<1x128x128xf32> to vector<128x128xf32>
    %dot_general3A_98 = arith.constant dense<0.000000e+00> : vector<1024x128xf32>
    %dot_general3A_99 = tpu.matmul %mul3A_92, %get3A_97, %dot_general3A_98 {dimension_numbers = #tpu.dot_dimension_numbers<[1], [0], [0], [1], [0, 0, 1, 1], [], []>, transpose_lhs_hint = false} : vector<1024x128xf32>, vector<128x128xf32>, vector<1024x128xf32> -> vector<1024x128xf32>
    %add3A_100 = arith.addf %add3A_85, %dot_general3A_99 : vector<1024x128xf32>
    %slice3A_101 = vector.extract_strided_slice %dot_general3A_57 {offsets = [0, 384], sizes = [1024, 128], strides = [1, 1]} : vector<1024x512xf32> to vector<1024x128xf32>
    %mul3A_102 = arith.mulf %get3A_4, %slice3A_101 : vector<1024x128xf32>
    %get3A_103 = arith.constant 0 : index
    %get3A_104 = arith.constant 3 : index
    %get3A_105 = vector.load %arg5[%get3A_103, %get3A_104] : memref<1024x4xf32, #tpu.memory_space<vmem>>, vector<1024x1xf32>
    %mul3A_106 = vector.broadcast %get3A_105 : vector<1024x1xf32> to vector<1024x128xf32>
    %mul3A_107 = arith.mulf %mul3A_102, %mul3A_106 : vector<1024x128xf32>
    %get3A_108 = arith.constant 3 : index
    %get3A_109 = arith.constant 0 : index
    %get3A_110 = arith.constant 0 : index
    %get3A_111 = vector.load %arg12[%get3A_108, %get3A_109, %get3A_110] : memref<4x128x128xf32, #tpu.memory_space<vmem>>, vector<1x128x128xf32>
    %get3A_112 = vector.shape_cast %get3A_111 : vector<1x128x128xf32> to vector<128x128xf32>
    %dot_general3A_113 = arith.constant dense<0.000000e+00> : vector<1024x128xf32>
    %dot_general3A_114 = tpu.matmul %mul3A_107, %get3A_112, %dot_general3A_113 {dimension_numbers = #tpu.dot_dimension_numbers<[1], [0], [0], [1], [0, 0, 1, 1], [], []>, transpose_lhs_hint = false} : vector<1024x128xf32>, vector<128x128xf32>, vector<1024x128xf32> -> vector<1024x128xf32>
    %add3A_115 = arith.addf %add3A_100, %dot_general3A_114 : vector<1024x128xf32>
    %swap3A = arith.constant 0 : index
    %swap3A_116 = arith.constant 0 : index
    %swap3A_117 = vector.load %arg13[%swap3A, %swap3A_116] : memref<1024x128xf32, #tpu.memory_space<vmem>>, vector<1024x128xf32>
    tpu.vector_store %arg13[%swap3A, %swap3A_116], %add3A_115 {strides = array<i32>} : memref<1024x128xf32, #tpu.memory_space<vmem>>, vector<1024x128xf32>,
    return
  }
  func.func @transform_0(%arg0: i32) -> (i32, i32) {
    %c0_i32 = arith.constant 0 : i32
    %c0_i32_0 = arith.constant 0 : i32
    return %arg0, %c0_i32 : i32, i32
  }
  func.func @transform_1(%arg0: i32) -> (i32, i32) {
    %c0_i32 = arith.constant 0 : i32
    %c0_i32_0 = arith.constant 0 : i32
    return %arg0, %c0_i32 : i32, i32
  }
  func.func @transform_2(%arg0: i32) -> (i32, i32) {
    %c0_i32 = arith.constant 0 : i32
    %c0_i32_0 = arith.constant 0 : i32
    return %arg0, %c0_i32 : i32, i32
  }
  func.func @transform_3(%arg0: i32) -> (i32, i32) {
    %c0_i32 = arith.constant 0 : i32
    %c0_i32_0 = arith.constant 0 : i32
    return %arg0, %c0_i32 : i32, i32
  }
  func.func @transform_4(%arg0: i32) -> (i32, i32) {
    %c0_i32 = arith.constant 0 : i32
    %c0_i32_0 = arith.constant 0 : i32
    return %arg0, %c0_i32 : i32, i32
  }
  func.func @transform_5(%arg0: i32) -> (i32, i32) {
    %c0_i32 = arith.constant 0 : i32
    %c0_i32_0 = arith.constant 0 : i32
    %c0_i32_1 = arith.constant 0 : i32
    return %c0_i32, %c0_i32_0 : i32, i32
  }
  func.func @transform_6(%arg0: i32) -> (i32, i32) {
    %c0_i32 = arith.constant 0 : i32
    %c0_i32_0 = arith.constant 0 : i32
    %c0_i32_1 = arith.constant 0 : i32
    return %c0_i32, %c0_i32_0 : i32, i32
  }
  func.func @transform_7(%arg0: i32) -> (i32, i32) {
    %c0_i32 = arith.constant 0 : i32
    %c0_i32_0 = arith.constant 0 : i32
    %c0_i32_1 = arith.constant 0 : i32
    return %c0_i32, %c0_i32_0 : i32, i32
  }
  func.func @transform_8(%arg0: i32) -> (i32, i32) {
    %c0_i32 = arith.constant 0 : i32
    %c0_i32_0 = arith.constant 0 : i32
    %c0_i32_1 = arith.constant 0 : i32
    return %c0_i32, %c0_i32_0 : i32, i32
  }
  func.func @transform_9(%arg0: i32) -> (i32, i32) {
    %c0_i32 = arith.constant 0 : i32
    %c0_i32_0 = arith.constant 0 : i32
    %c0_i32_1 = arith.constant 0 : i32
    return %c0_i32, %c0_i32_0 : i32, i32
  }
  func.func @transform_10(%arg0: i32) -> (i32, i32) {
    %c0_i32 = arith.constant 0 : i32
    %c0_i32_0 = arith.constant 0 : i32
    %c0_i32_1 = arith.constant 0 : i32
    return %c0_i32, %c0_i32_0 : i32, i32
  }
  func.func @transform_11(%arg0: i32) -> (i32, i32, i32) {
    %c0_i32 = arith.constant 0 : i32
    %c0_i32_0 = arith.constant 0 : i32
    %c0_i32_1 = arith.constant 0 : i32
    %c0_i32_2 = arith.constant 0 : i32
    return %c0_i32, %c0_i32_0, %c0_i32_1 : i32, i32, i32
  }
  func.func @transform_12(%arg0: i32) -> (i32, i32) {
    %c0_i32 = arith.constant 0 : i32
    %c0_i32_0 = arith.constant 0 : i32
    return %arg0, %c0_i32 : i32, i32
  }
}

module attributes {stable_mosaic.version = 14 : i64} {
  func.func @_add_body(%arg0: i32, %arg1: memref<1000x128xf32, #tpu.memory_space<vmem>>, %arg2: memref<1000x128xf32, #tpu.memory_space<vmem>>, %arg3: memref<1000x128xf32, #tpu.memory_space<vmem>>) attributes {dimension_semantics = [#tpu.dimension_semantics<arbitrary>], iteration_bounds = array<i64: 10>, scalar_prefetch = 0 : i64, scratch_operands = 0 : i64, tpu.core_type = #tpu.core_type<tc>, window_params = [{transform_indices = @transform_0, window_bounds = array<i64: 1000, 128>}, {transform_indices = @transform_1, window_bounds = array<i64: 1000, 128>}, {transform_indices = @transform_2, window_bounds = array<i64: 1000, 128>}]} {
    %get3A = arith.constant 0 : index
    %get3A_0 = arith.constant 0 : index
    %get3A_1 = vector.load %arg1[%get3A, %get3A_0] : memref<1000x128xf32, #tpu.memory_space<vmem>>, vector<1000x128xf32>
    %get3A_2 = arith.constant 0 : index
    %get3A_3 = arith.constant 0 : index
    %get3A_4 = vector.load %arg2[%get3A_2, %get3A_3] : memref<1000x128xf32, #tpu.memory_space<vmem>>, vector<1000x128xf32>
    %add3A = arith.addf %get3A_1, %get3A_4 : vector<1000x128xf32>
    %swap3A = arith.constant 0 : index
    %swap3A_5 = arith.constant 0 : index
    %swap3A_6 = vector.load %arg3[%swap3A, %swap3A_5] : memref<1000x128xf32, #tpu.memory_space<vmem>>, vector<1000x128xf32>
    tpu.vector_store %arg3[%swap3A, %swap3A_5], %add3A {strides = array<i32>} : memref<1000x128xf32, #tpu.memory_space<vmem>>, vector<1000x128xf32>,
    return
  }
  func.func @transform_0(%arg0: i32) -> (i32, i32) {
    %c0_i32 = arith.constant 0 : i32
    %c0_i32_0 = arith.constant 0 : i32
    return %arg0, %c0_i32 : i32, i32
  }
  func.func @transform_1(%arg0: i32) -> (i32, i32) {
    %c0_i32 = arith.constant 0 : i32
    %c0_i32_0 = arith.constant 0 : i32
    return %arg0, %c0_i32 : i32, i32
  }
  func.func @transform_2(%arg0: i32) -> (i32, i32) {
    %c0_i32 = arith.constant 0 : i32
    %c0_i32_0 = arith.constant 0 : i32
    return %arg0, %c0_i32 : i32, i32
  }
}

</mosaic_0001>

<sc_bundles>
// kernel: kernel.10.cloned.1.call-start
scs
__scs_entry_jumppad:
0x0: {  	(pc) =	sbr.rel $0x88, $3  }
0x1: {  	(tag) =	ssettag $0x0;
	lr =	simm.s32 $0x1  }
0x2: {  	[smem:$0x3F94] =	sst lr;
	_ =	strace $0xD0000000  }
0x3: {  	_ = 	snop  }
0x4: {  	_ = 	snop  }
0x5: {  	_ = 	snop  }
0x6: {  	_ = 	snop  }
0x7: {  	_ = 	snop  }
__scs_overlays_trampoline_lowered:
0x8: {  	[smem:$0x3FA3] =	sst s0  }
0x9: {  	[smem:$0x3FA4] =	sst s1  }
0xa: {  	[smem:$0x3FA5] =	sst s2  }
0xb: {  	[smem:$0x3FA6] =	sst s3  }
0xc: {  	[smem:$0x3FA7] =	sst s4  }
0xd: {  	[smem:$0x3FA8] =	sst s5  }
0xe: {  	[smem:$0x3FA9] =	sst s6  }
0xf: {  	[smem:$0x3FAA] =	sst s7  }
0x10: {  	[smem:$0x3FAB] =	sst s8  }
0x11: {  	[smem:$0x3FAC] =	sst s9;
	s0 =	simm.s32 @!p0 $0x0  }
0x12: {  	s1 =	sld [smem:$0x3F92];
	s0 =	simm.s32 @p0 $0x1  }
0x13: {  	[smem:$0x3FAD] =	sst s0;
	s0 =	simm.s32 @!p1 $0x0  }
0x14: {  	s2 =	sld [smem:$0x3F91];
	s0 =	simm.s32 @p1 $0x1  }
0x15: {  	[smem:$0x3FAE] =	sst s0;
	s0 =	simm.s32 @!p2 $0x0  }
0x16: {  	s3 =	sld [smem:$0x3FDB];
	s0 =	simm.s32 @p2 $0x1  }
0x17: {  	s4 =	simm.s32 $0x1BF5;
	[smem:$0x3FB0] =	sst s0  }
0x18: {  	s0 =	sld [smem:$0x3F93];
	_ =	swait.ge [sflag:s4], $0x0  }
0x19: {  	s7 =	sld [smem:$0x3F94]  }
0x1a: {  	s8 =	sadd.s32 $0xFFFFE003, lr  }
0x1b: {  	s9 =	sadd.s32 $0xFFFFFEF7, lr;
	s5 =	simm.s32 $0xFFFFFFFF;
	p2 =	slt.u32 s8, $0xFFFFF086  }
0x1c: {  	p1 =	slt.u32 s9, $0xF7A;
	s5 =	simm.s32 @!p2 $0x0  }
0x1d: {  	s5 =	simm.s32 @p1 $0x1;
	p0 =	seq.s32 s7, s2  }
0x1e: {  	s7 =	smul.u32 @!p0 $0xF7A, s2;
	p2 =	seq.s32 @!p0 s5, $0x0  }
0x1f: {  	s9 =	smul.u32 $0xF7A, s1;
	s8 =	simm.s32 @!p0 $0x1BF5;
	p2 =	por !p2, p0  }
0x20: {  	[sflag:s8] =	ssyncset.s32 @!p0 $0xFFFFF086;
	s6 =	sadd.s32 @!p0 s3, s7;
	s7 =	simm.s32 @!p0 $0x108  }
0x21: {  	s3 =	sadd.s32 s3, s9;
	s6 =	sadd.s32 @!p0 $0x88, s6;
	s7 =	simm.s32 @p2 $0x1082  }
0x22: {  	[simem:s7], [sflag:s8] =	dma.local @!p0 [hbm:s6], $0xF7A  }
0x23: {  	s9 =	sor.u32 $0xD0000000, s2;
	s6 =	simm.s32 $0x108;
	_ =	swait.ge @!p0 [sflag:s8], $0x0  }
0x24: {  	s3 =	sadd.s32 $0x88, s3;
	s6 =	simm.s32 @!p1 $0x1082;
	[sflag:s4] =	ssyncset.s32 $0xFFFFF086  }
0x25: {  	[simem:s6], [sflag:s4] =	dma.local [hbm:s3], $0xF7A  }
0x26: {  	[smem:$0x3F94] =	sst s1;
	(tag) =	ssettag s2;
	_ =	strace s9  }
0x27: {  	s1 =	sld [smem:$0x3FA4]  }
0x28: {  	s2 =	sld [smem:$0x3FA5]  }
0x29: {  	s4 =	sld [smem:$0x3FA7]  }
0x2a: {  	p0 =	seq.s32 s5, $0x0;
	s5 =	sld [smem:$0x3FA8]  }
0x2b: {  	s6 =	sld [smem:$0x3FA9]  }
0x2c: {  	s7 =	sld [smem:$0x3FAA]  }
0x2d: {  	s3 =	simm.s32 $0x108;
	s8 =	sld [smem:$0x3FAB]  }
0x2e: {  	s3 =	simm.s32 @!p0 $0x1082;
	s9 =	sld [smem:$0x3FAC]  }
0x2f: {  	lr =	sadd.s32 s0, s3;
	s0 =	sld [smem:$0x3FA3]  }
0x30: {  	s3 =	sld [smem:$0x3FA6]  }
0x31: {  	[smem:$0x3FAF] =	sst s10  }
0x32: {  	s10 =	sld [smem:$0x3FAD];
	_ =	sdelay $0x3  }
0x33: {  	p0 =	seq.s32 s10, $0x1;
	s10 =	sld [smem:$0x3FAF];
	_ =	sdelay $0x3  }
0x34: {  	[smem:$0x3FAF] =	sst s10  }
0x35: {  	s10 =	sld [smem:$0x3FAE];
	_ =	sdelay $0x3  }
0x36: {  	p1 =	seq.s32 s10, $0x1;
	s10 =	sld [smem:$0x3FAF];
	_ =	sdelay $0x3  }
0x37: {  	[smem:$0x3FAF] =	sst s10  }
0x38: {  	s10 =	sld [smem:$0x3FB0]  }
0x39: {  	_ = 	snop;
	(pc) =	sbr.ind lr, $3  }
0x3a: {  	_ = 	snop  }
0x3b: {  	_ = 	snop  }
0x3c: {  	p2 =	seq.s32 s10, $0x1;
	s10 =	sld [smem:$0x3FAF]  }
0x3d: {  	_ =	shalt  }
0x3e: {  	_ =	shalt  }
0x3f: {  	_ =	shalt  }
0x40: {  	_ =	shalt  }
0x41: {  	_ =	shalt  }
0x42: {  	_ =	shalt  }
0x43: {  	_ =	shalt  }
0x44: {  	_ =	shalt  }
0x45: {  	_ =	shalt  }
0x46: {  	_ =	shalt  }
0x47: {  	_ =	shalt  }
0x48: {  	_ =	shalt  }
0x49: {  	_ =	shalt  }
0x4a: {  	_ =	shalt  }
0x4b: {  	_ =	shalt  }
0x4c: {  	_ =	shalt  }
0x4d: {  	_ =	shalt  }
0x4e: {  	_ =	shalt  }
0x4f: {  	_ =	shalt  }
0x50: {  	_ =	shalt  }
0x51: {  	_ =	shalt  }
0x52: {  	_ =	shalt  }
0x53: {  	_ =	shalt  }
0x54: {  	_ =	shalt  }
0x55: {  	_ =	shalt  }
0x56: {  	_ =	shalt  }
0x57: {  	_ =	shalt  }
0x58: {  	_ =	shalt  }
0x59: {  	_ =	shalt  }
0x5a: {  	_ =	shalt  }
0x5b: {  	_ =	shalt  }
0x5c: {  	_ =	shalt  }
0x5d: {  	_ =	shalt  }
0x5e: {  	_ =	shalt  }
0x5f: {  	_ =	shalt  }
0x60: {  	_ =	shalt  }
0x61: {  	_ =	shalt  }
0x62: {  	_ =	shalt  }
0x63: {  	_ =	shalt  }
0x64: {  	_ =	shalt  }
0x65: {  	_ =	shalt  }
0x66: {  	_ =	shalt  }
0x67: {  	_ =	shalt  }
0x68: {  	_ =	shalt  }
0x69: {  	_ =	shalt  }
0x6a: {  	_ =	shalt  }
0x6b: {  	_ =	shalt  }
0x6c: {  	_ =	shalt  }
0x6d: {  	_ =	shalt  }
0x6e: {  	_ =	shalt  }
0x6f: {  	_ =	shalt  }
0x70: {  	_ =	shalt  }
0x71: {  	_ =	shalt  }
0x72: {  	_ =	shalt  }
0x73: {  	_ =	shalt  }
0x74: {  	_ =	shalt  }
0x75: {  	_ =	shalt  }
0x76: {  	_ =	shalt  }
0x77: {  	_ =	shalt  }
0x78: {  	_ =	shalt  }
0x79: {  	_ =	shalt  }
0x7a: {  	_ =	shalt  }
0x7b: {  	_ =	shalt  }
0x7c: {  	_ =	shalt  }
0x7d: {  	_ =	shalt  }
0x7e: {  	_ =	shalt  }
0x7f: {  	_ =	shalt  }
0x80: {  	_ =	shalt  }
0x81: {  	_ =	shalt  }
0x82: {  	_ =	shalt  }
0x83: {  	_ =	shalt  }
0x84: {  	_ =	shalt  }
0x85: {  	_ =	shalt  }
0x86: {  	_ =	shalt  }
0x87: {  	_ =	shalt  }
.Lfunc_end0:
.L_simem_size_0:
called_computation.1_lowered:
.L_overlay_start_0:
0x88: {  	s2 =	sld [smem:$0x3FD9]  }
0x89: {  	s3 =	sld [smem:$0x3FFE];
	_ =	sdelay $0x1  }
0x8a: {  	s1 =	srdreg.scid  }
0x8b: {  	s0 =	sand.u32 $0x1, s1  }
0x8c: {  	s17 =	sshll.u32 s0, $0xA;
	s2 =	sadd.s32 s3, s2  }
0x8d: {  	s2 =	sadd.s32 s2, s17  }
0x8e: {  	[smem:$0x3FBB] =	sst s2  }
0x8f: {  	_ = 	snop  }
0x90: {  	s2 =	sld [smem:$0x3FD0];
	(tm) =	ssettm $0x1  }
0x91: {  	s18 =	sld [smem:$0x3FFB];
	_ =	sdelay $0x3  }
0x92: {  	_ =	strace s18  }
0x93: {  	s3 =	sld [smem:$0x3FFC];
	_ =	sdelay $0x3  }
0x94: {  	_ =	strace s3  }
0x95: {  	s3 =	sld [smem:$0x3FFD];
	_ =	sdelay $0x3  }
0x96: {  	_ =	strace s3  }
0x97: {  	_ =	strace $0x8FFFFFFF  }
0x98: {  	s19 =	sld [smem:$0x3FDB];
	_ =	sdelay $0x1  }
0x99: {  	s4 =	simm.s32 $_scs_section_size  }
0x9a: {  	s5 =	simm.s32 $_size__tile_overlayer_lowered;
	s6 =	simm.s32 $_tile_overlayer_lowered  }
0x9b: {  	s22 =	simm.s32 $0x1BFF;
	s21 =	sshll.u32 s6, $0x1;
	s3 =	sadd.s32 s4, s19  }
0x9c: {  	s7 =	simm.s32 $0x0;
	s20 =	sshll.u32 s5, $0x1;
	s5 =	sadd.s32 s21, s3  }
0x9d: {  	[timem:s7], [sflag:s22] =	dma.local [hbm:s5], s20  }
0x9e: {  	_ =	swait.ge [sflag:s22], s20  }
0x9f: {  	s4 =	ssub.s32 $0x0, s20;
	[sflag:s22] =	ssyncset.done $0x0  }
0xa0: {  	[sflag:s22] =	ssyncadd.s32 s4;
	_ =	sdelay $0x1  }
0xa1: {  	s23 =	simm.s32 $0x1B8B  }
0xa2: {  	_ =	swait.ge [sflag:s23], $0x1  }
0xa3: {  	[sflag:s23] =	ssyncset.done $0x0  }
0xa4: {  	s25 =	simm.s32 $0x1B8E;
	s24 =	sld [smem:$0x3FFE];
	[sflag:s23] =	ssyncadd.s32 $0xFFFFFFFF  }
0xa5: {  	s26 =	simm.s32 $execute0_lowered;
	[smem:$0x3FD2] =	sst s25  }
0xa6: {  	s5 =	sshll.u32 s26, $0x1;
	_ =	strace $0x80000049;
	[dreg:$0x1] =	wrdreg $0xFFFFFFFF  }
0xa7: {  	s28 =	simm.s32 $_size_execute0_lowered;
	s3 =	sadd.s32 s3, s5;
	[dreg:$0x0] =	wrdreg $0x0  }
0xa8: {  	s5 =	sshll.u32 s28, $0x1;
	[dreg:$0x2] =	wrdreg s3  }
0xa9: {  	[dreg:$0x3] =	wrdreg s5  }
0xaa: {  	[dreg:$0x4] =	wrdreg $0xC0  }
0xab: {  	_ =	task [dreg:s7], $0x5FFFF  }
0xac: {  	[dreg:$0x1] =	wrdreg $0xFFFFFFFF  }
0xad: {  	[dreg:$0x0] =	wrdreg $0x60  }
0xae: {  	[dreg:$0x2] =	wrdreg s24  }
0xaf: {  	[dreg:$0x3] =	wrdreg s2  }
0xb0: {  	[dreg:$0x4] =	wrdreg $0x94000  }
0xb1: {  	[dreg:$0x5] =	wrdreg $0x9  }
0xb2: {  	_ =	task.clear_ibuf [dreg:s7], $0x6FFFF;
	_ =	strace $0x90000049  }
0xb3: {  	s29 =	simm.s32 $0x9;
	_ =	strace $0x8000004B  }
0xb4: {  	_ =	swait.ge [sflag:s29], $0x1  }
0xb5: {  	[sflag:s29] =	ssyncadd.s32 $0xFFFFFFFF  }
0xb6: {  	_ =	strace $0x9000004B  }
0xb7: {  	_ =	sfence  }
0xb8: {  	s30 =	sld [smem:$0x0];
	_ =	sdelay $0x2  }
0xb9: {  	s31 =	sshll.u32 s1, $0xD;
	s1 =	sshrl.u32 s1, $0x2  }
0xba: {  	s3 =	sand.u32 $0x4000, s31;
	s1 =	sadd.s32 s1, s30  }
0xbb: {  	s0 =	sor.u32 s3, s0;
	s1 =	sshll.u32 s1, $0x11  }
0xbc: {  	s0 =	sor.u32 s1, s0  }
0xbd: {  	s0 =	sadd.s32 $0x8F2B, s0  }
0xbe: {  	[sflag:s0] =	ssyncadd.remote.s32 $0x1  }
0xbf: {  	_ =	sfence.sel $0xFFFF  }
0xc0: {  	[dreg:$0x0] =	wrdreg $0xFFFFFFFF;
	(pc) =	sbr.abs _section_cstart, $3  }
0xc1: {  	[dreg:$0x1] =	wrdreg $0xFFFFFFFF  }
0xc2: {  	_ =	task.clear_ibuf [dreg:s7], $0x2FFFF;
	_ =	strace $0x9FFFFFFF  }
0xc3: {  	(tm) =	ssettm $0x7FFFFFFF  }
tec
execute0_lowered:
.L_overlay_start_1:
0x0: {  	(tag) =	ssettag $0x1  }
0x1: {  	s0 =	srdreg.scid;
	s5 =	rddreg [dreg:$0x0]  }
0x2: {  	s2 =	rddreg [dreg:$0x1];
	s6 =	sand.u32 $0x1, s0  }
0x3: {  	s0 =	stileid.u32;
	s8 =	smul.u32 $0x13C000, s6  }
0x4: {  	s3 =	rddreg [dreg:$0x2];
	s9 =	smul.u32 $0x13C00, s0  }
0x5: {  	s4 =	simm.s32 $0x0;
	s15 =	simm.s32 $0x1;
	s12 =	smul.u32 $0x4E200, s0  }
0x6: {  	s16 =	simm.s32 $0x80;
	s17 =	simm.s32 $0x2;
	s25 =	smul.u32 $0xA00000, s6  }
0x7: {  	s18 =	simm.s32 $0x0;
	[smem:$0x7FF] =	sst s4;
	s13 =	smul.u32 $0xA0000, s0  }
0x8: {  	s10 =	sadd.s32 $0x7DB200, s5;
	s1 =	sshll.u32 s6, $0x4;
	s29 =	smul.u32 $0x140000, s6  }
0x9: {  	s24 =	ssub.s32 $0x2, s6;
	s30 =	smul.u32 $0x14000, s0;
	s1 =	sor.u32 s0, s1  }
0xa: {  	s28 =	sshll.u32 s0, $0x6;
	s11 =	sshrl.u32 s24, $0x1;
	s7 =	smul.u32 $0x1400, s1  }
0xb: {  	s1 =	rddreg [dreg:$0x3];
	_ =	strace $0x8000004A;
	s8 =	sadd.s32 s9, s8  }
0xc: {  	s9 =	ssub.s32 s24, s11;
	s26 =	sshrl.u32 s12, $0x2;
	s11 =	sadd.s32 s13, s25  }
0xd: {  	s12 =	sadd.s32 s29, s10;
	s13 =	simm.s32 $0x1400;
	s8 =	sshrl.u32 s8, $0x3  }
0xe: {  	s14 =	sadd.s32 s26, s3;
	s11 =	sshrl.u32 s11, $0x3;
	s7 =	sshrl.u32 s7, $0x3  }
0xf: {  	s31 =	sadd.s32 s30, s12;
	s12 =	simm.s32 $0x3;
	s7 =	sadd.s32 s7, s5  }
0x10: {  	s8 =	sadd.s32 s8, s5;
	s5 =	sor.u32 $0x1C03, s28;
	s6 =	sadd.s32 $0x3000, s7  }
0x11: {  	s7 =	sadd.s32 $0x8000, s8;
	s8 =	smax.u32 s9, $0x1;
	s9 =	sadd.s32 s11, s10  }
0x12: {  	s10 =	sadd.s32 $0x800, s31;
	s11 =	sshrl.u32 s14, $0x3;
	s14 =	simm.s32 $0x5400  }
.LBB2_1:
0x13: {  	[spmem:s11], [sflag:s5] =	dma.local [hbm:s2], $0x2710  }
0x14: {  	_ =	swait.ge [sflag:s12], $0x2710  }
0x15: {  	[sflag:s12] =	ssyncset.done $0x0  }
0x16: {  	[sflag:s12] =	ssyncadd.s32 $0xFFFFD8F0  }
0x17: {  	[tilespmem:s4], [sflag:$0x3] =	stream.linear.gather [hbm4b:s6+s4], $0x1400, $0x38;
	[tilespmem:$0x1CC80] =	vst v63  }
0x18: {  	_ =	swait.ge [sflag:s12], $0x1400  }
0x19: {  	[sflag:s12] =	ssyncset.done $0x0  }
0x1a: {  	[sflag:s12] =	ssyncadd.s32 $0xFFFFEC00  }
0x1b: {  	s19 =	sadd.s32 $0x0, s9;
	[bflag:$0x0] =	sbarrier.arrive $0xFFFF  }
0x1c: {  	[tilespmem:s13], [sflag:$0x1] =	stream.linear.gather [hbm4b:s19+s4], $0x4000, $0x38;
	[tilespmem:$0x1CC80] =	vst v63  }
0x1d: {  	s30 =	sadd.s32 $0x0, s10  }
0x1e: {  	[tilespmem:s14], [sflag:$0x2] =	stream.linear.gather [hbm4b:s30+s4], $0x4000, $0x38;
	[tilespmem:$0x1CC80] =	vst v63  }
0x1f: {  	_ =	swait.ge [sflag:s15], $0x4000  }
0x20: {  	[sflag:s15] =	ssyncset.done $0x0  }
0x21: {  	[sflag:s15] =	ssyncadd.s32 $0xFFFFC000  }
0x22: {  	[spmem:s3] =	stream.indirect.scatter.add.f32 [tilespmem:s13], [sflag:$0x3], $0x80, s4, s16, $0xb8;
	[tilespmem:$0x1CC80] =	vst v63  }
0x23: {  	_ =	swait.ge [sflag:s12], $0x4000  }
0x24: {  	[sflag:s12] =	ssyncset.done $0x0  }
0x25: {  	[sflag:s12] =	ssyncadd.s32 $0xFFFFC000  }
0x26: {  	_ =	swait.ge [sflag:s17], $0x4000  }
0x27: {  	[sflag:s17] =	ssyncset.done $0x0  }
0x28: {  	s31 =	simm.s32 $0x80;
	[sflag:s17] =	ssyncadd.s32 $0xFFFFC000  }
0x29: {  	[spmem:s3] =	stream.indirect.scatter.add.f32 [tilespmem:s14], [sflag:$0x3], $0x80, s31, s16, $0xb8;
	[tilespmem:$0x1CC80] =	vst v63  }
0x2a: {  	s20 =	simm.s32 $0x1000;
	_ =	swait.ge [sflag:s12], $0x4000  }
0x2b: {  	s21 =	simm.s32 $0x2000;
	s19 =	simm.s32 $0x100;
	[sflag:s12] =	ssyncset.done $0x0  }
.LBB2_2:
0x2c: {  	s22 =	sadd.s32 s20, s9  }
0x2d: {  	[sflag:s12] =	ssyncadd.s32 $0xFFFFC000;
	s23 =	smov.u32 s21;
	s24 =	sadd.s32 $0x1000, s21  }
0x2e: {  	[tilespmem:s13], [sflag:$0x1] =	stream.linear.gather [hbm4b:s22+s4], $0x4000, $0x38;
	[tilespmem:$0x1CC80] =	vst v63  }
0x2f: {  	p0 =	sne.s32 s21, $0x13000;
	s21 =	sadd.s32 s20, s10;
	s20 =	smov.u32 s23  }
0x30: {  	[tilespmem:s14], [sflag:$0x2] =	stream.linear.gather [hbm4b:s21+s4], $0x4000, $0x38;
	[tilespmem:$0x1CC80] =	vst v63  }
0x31: {  	_ =	swait.ge [sflag:s15], $0x4000  }
0x32: {  	[sflag:s15] =	ssyncset.done $0x0  }
0x33: {  	[sflag:s15] =	ssyncadd.s32 $0xFFFFC000  }
0x34: {  	[spmem:s3] =	stream.indirect.scatter.add.f32 [tilespmem:s13], [sflag:$0x3], $0x80, s19, s16, $0xb8;
	[tilespmem:$0x1CC80] =	vst v63  }
0x35: {  	_ =	swait.ge [sflag:s12], $0x4000  }
0x36: {  	[sflag:s12] =	ssyncset.done $0x0  }
0x37: {  	[sflag:s12] =	ssyncadd.s32 $0xFFFFC000  }
0x38: {  	_ =	swait.ge [sflag:s17], $0x4000  }
.Ltmp0:
0x39: {  	[sflag:s17] =	ssyncset.done $0x0;
	(pc) =	sbr.rel @p0 .LBB2_2-.Ltmp0, $4  }
0x3a: {  	s21 =	sadd.s32 $0x80, s19;
	[sflag:s17] =	ssyncadd.s32 $0xFFFFC000  }
0x3b: {  	[spmem:s3] =	stream.indirect.scatter.add.f32 [tilespmem:s14], [sflag:$0x3], $0x80, s21, s16, $0xb8;
	[tilespmem:$0x1CC80] =	vst v63  }
0x3c: {  	_ =	swait.ge [sflag:s12], $0x4000  }
0x3d: {  	s19 =	sadd.s32 $0x100, s19;
	s21 =	smov.u32 s24;
	[sflag:s12] =	ssyncset.done $0x0  }
0x3e: {  	s21 =	sadd.s32 s20, s9;
	[sflag:s12] =	ssyncadd.s32 $0xFFFFC000  }
0x3f: {  	[tilespmem:s13], [sflag:$0x1] =	stream.linear.gather [hbm4b:s21+s4], $0x4000, $0x38;
	[tilespmem:$0x1CC80] =	vst v63  }
0x40: {  	s30 =	sadd.s32 s20, s10  }
0x41: {  	[tilespmem:s14], [sflag:$0x2] =	stream.linear.gather [hbm4b:s30+s4], $0x4000, $0x38;
	[tilespmem:$0x1CC80] =	vst v63  }
0x42: {  	_ =	swait.ge [sflag:s15], $0x4000  }
0x43: {  	[sflag:s15] =	ssyncset.done $0x0  }
0x44: {  	[sflag:s15] =	ssyncadd.s32 $0xFFFFC000  }
0x45: {  	[spmem:s3] =	stream.indirect.scatter.add.f32 [tilespmem:s13], [sflag:$0x3], $0x80, s19, s16, $0xb8;
	[tilespmem:$0x1CC80] =	vst v63  }
0x46: {  	_ =	swait.ge [sflag:s12], $0x4000  }
0x47: {  	[sflag:s12] =	ssyncset.done $0x0  }
0x48: {  	[sflag:s12] =	ssyncadd.s32 $0xFFFFC000  }
0x49: {  	_ =	swait.ge [sflag:s17], $0x4000  }
0x4a: {  	[sflag:s17] =	ssyncset.done $0x0  }
0x4b: {  	s31 =	sadd.s32 $0x80, s19;
	[sflag:s17] =	ssyncadd.s32 $0xFFFFC000  }
0x4c: {  	[spmem:s3] =	stream.indirect.scatter.add.f32 [tilespmem:s14], [sflag:$0x3], $0x80, s31, s16, $0xb8;
	[tilespmem:$0x1CC80] =	vst v63  }
0x4d: {  	_ =	swait.ge [sflag:s12], $0x4000  }
0x4e: {  	s18 =	sadd.s32 $0x1, s18;
	[sflag:s12] =	ssyncset.done $0x0  }
0x4f: {  	p0 =	sne.s32 s18, s8;
	[sflag:s12] =	ssyncadd.s32 $0xFFFFC000  }
.Ltmp1:
0x50: {  	[bflag:$0x0] =	sbarrier.arrive $0xFFFF;
	(pc) =	sbr.rel @p0 .LBB2_1-.Ltmp1, $4  }
0x51: {  	[hbm:s7], [sflag:s5] =	dma.local [spmem:s11], $0x2710  }
0x52: {  	_ =	swait.ge [sflag:s12], $0x2710  }
0x53: {  	[sflag:s12] =	ssyncset.done $0x0  }
0x54: {  	[sflag:s12] =	ssyncadd.s32 $0xFFFFD8F0  }
0x55: {  	_ =	sfence.sel $0x180000  }
0x56: {  	[bflag:$0x0] =	sbarrier.arrive $0xFFFF  }
0x57: {  	p0 =	sne.s32 s0, $0x0;
	_ =	strace $0x9000004A  }
0x58: {  	s0 =	sadd.s32 @!p0 $0x100000, s1;
	[bflag:$0x2] =	sbarrier.arrive $0xFFFF  }
0x59: {  	[sflag:s0] =	ssyncadd.tile.s32 @!p0 $0x1;
	_ =	shalt  }
.Lfunc_end2:
_tile_overlayer_lowered:
.L_overlay_start_2:
0x5a: {  	(tag) =	ssettag $0x2  }
0x5b: {  	s0 =	rddreg [dreg:$0x0];
	s2 =	stileid.u32  }
0x5c: {  	s1 =	rddreg [dreg:$0x1];
	p0 =	sne.s32 s2, $0x0  }
0x5d: {  	s3 =	rddreg [dreg:$0x2];
	[bflag:$0x3] =	sbarrier.arrive $0xFFFF;
	s2 =	simm.s32 @!p0 $0x1C03  }
0x5e: {  	[timem:s3], [sflag:s2] =	dma.local @!p0 [hbm:s0], s1  }
0x5f: {  	s0 =	simm.s32 @!p0 $0x3  }
0x60: {  	_ =	swait.ge @!p0 [sflag:s0], s1  }
0x61: {  	s1 =	ssub.s32 @!p0 $0x0, s1;
	[sflag:s0] =	ssyncset.done @!p0 $0x0  }
0x62: {  	[sflag:s0] =	ssyncadd.s32 @!p0 s1  }
0x63: {  	[bflag:$0x3] =	sbarrier.arrive $0xFFFF  }
0x64: {  	_ =	shalt  }

// kernel: kernel.7.cloned.1.call-start
scs
__scs_entry_jumppad:
0x0: {  	(pc) =	sbr.rel $0x88, $3  }
0x1: {  	(tag) =	ssettag $0x0;
	lr =	simm.s32 $0x1  }
0x2: {  	[smem:$0x3F94] =	sst lr;
	_ =	strace $0xD0000000  }
0x3: {  	_ = 	snop  }
0x4: {  	_ = 	snop  }
0x5: {  	_ = 	snop  }
0x6: {  	_ = 	snop  }
0x7: {  	_ = 	snop  }
__scs_overlays_trampoline_lowered:
0x8: {  	[smem:$0x3FA3] =	sst s0  }
0x9: {  	[smem:$0x3FA4] =	sst s1  }
0xa: {  	[smem:$0x3FA5] =	sst s2  }
0xb: {  	[smem:$0x3FA6] =	sst s3  }
0xc: {  	[smem:$0x3FA7] =	sst s4  }
0xd: {  	[smem:$0x3FA8] =	sst s5  }
0xe: {  	[smem:$0x3FA9] =	sst s6  }
0xf: {  	[smem:$0x3FAA] =	sst s7  }
0x10: {  	[smem:$0x3FAB] =	sst s8  }
0x11: {  	[smem:$0x3FAC] =	sst s9;
	s0 =	simm.s32 @!p0 $0x0  }
0x12: {  	s1 =	sld [smem:$0x3F92];
	s0 =	simm.s32 @p0 $0x1  }
0x13: {  	[smem:$0x3FAD] =	sst s0;
	s0 =	simm.s32 @!p1 $0x0  }
0x14: {  	s2 =	sld [smem:$0x3F91];
	s0 =	simm.s32 @p1 $0x1  }
0x15: {  	[smem:$0x3FAE] =	sst s0;
	s0 =	simm.s32 @!p2 $0x0  }
0x16: {  	s3 =	sld [smem:$0x3FDB];
	s0 =	simm.s32 @p2 $0x1  }
0x17: {  	s4 =	simm.s32 $0x1BF5;
	[smem:$0x3FB0] =	sst s0  }
0x18: {  	s0 =	sld [smem:$0x3F93];
	_ =	swait.ge [sflag:s4], $0x0  }
0x19: {  	s7 =	sld [smem:$0x3F94]  }
0x1a: {  	s8 =	sadd.s32 $0xFFFFE003, lr  }
0x1b: {  	s9 =	sadd.s32 $0xFFFFFEF7, lr;
	s5 =	simm.s32 $0xFFFFFFFF;
	p2 =	slt.u32 s8, $0xFFFFF086  }
0x1c: {  	p1 =	slt.u32 s9, $0xF7A;
	s5 =	simm.s32 @!p2 $0x0  }
0x1d: {  	s5 =	simm.s32 @p1 $0x1;
	p0 =	seq.s32 s7, s2  }
0x1e: {  	s7 =	smul.u32 @!p0 $0xF7A, s2;
	p2 =	seq.s32 @!p0 s5, $0x0  }
0x1f: {  	s9 =	smul.u32 $0xF7A, s1;
	s8 =	simm.s32 @!p0 $0x1BF5;
	p2 =	por !p2, p0  }
0x20: {  	[sflag:s8] =	ssyncset.s32 @!p0 $0xFFFFF086;
	s6 =	sadd.s32 @!p0 s3, s7;
	s7 =	simm.s32 @!p0 $0x108  }
0x21: {  	s3 =	sadd.s32 s3, s9;
	s6 =	sadd.s32 @!p0 $0x88, s6;
	s7 =	simm.s32 @p2 $0x1082  }
0x22: {  	[simem:s7], [sflag:s8] =	dma.local @!p0 [hbm:s6], $0xF7A  }
0x23: {  	s9 =	sor.u32 $0xD0000000, s2;
	s6 =	simm.s32 $0x108;
	_ =	swait.ge @!p0 [sflag:s8], $0x0  }
0x24: {  	s3 =	sadd.s32 $0x88, s3;
	s6 =	simm.s32 @!p1 $0x1082;
	[sflag:s4] =	ssyncset.s32 $0xFFFFF086  }
0x25: {  	[simem:s6], [sflag:s4] =	dma.local [hbm:s3], $0xF7A  }
0x26: {  	[smem:$0x3F94] =	sst s1;
	(tag) =	ssettag s2;
	_ =	strace s9  }
0x27: {  	s1 =	sld [smem:$0x3FA4]  }
0x28: {  	s2 =	sld [smem:$0x3FA5]  }
0x29: {  	s4 =	sld [smem:$0x3FA7]  }
0x2a: {  	p0 =	seq.s32 s5, $0x0;
	s5 =	sld [smem:$0x3FA8]  }
0x2b: {  	s6 =	sld [smem:$0x3FA9]  }
0x2c: {  	s7 =	sld [smem:$0x3FAA]  }
0x2d: {  	s3 =	simm.s32 $0x108;
	s8 =	sld [smem:$0x3FAB]  }
0x2e: {  	s3 =	simm.s32 @!p0 $0x1082;
	s9 =	sld [smem:$0x3FAC]  }
0x2f: {  	lr =	sadd.s32 s0, s3;
	s0 =	sld [smem:$0x3FA3]  }
0x30: {  	s3 =	sld [smem:$0x3FA6]  }
0x31: {  	[smem:$0x3FAF] =	sst s10  }
0x32: {  	s10 =	sld [smem:$0x3FAD];
	_ =	sdelay $0x3  }
0x33: {  	p0 =	seq.s32 s10, $0x1;
	s10 =	sld [smem:$0x3FAF];
	_ =	sdelay $0x3  }
0x34: {  	[smem:$0x3FAF] =	sst s10  }
0x35: {  	s10 =	sld [smem:$0x3FAE];
	_ =	sdelay $0x3  }
0x36: {  	p1 =	seq.s32 s10, $0x1;
	s10 =	sld [smem:$0x3FAF];
	_ =	sdelay $0x3  }
0x37: {  	[smem:$0x3FAF] =	sst s10  }
0x38: {  	s10 =	sld [smem:$0x3FB0]  }
0x39: {  	_ = 	snop;
	(pc) =	sbr.ind lr, $3  }
0x3a: {  	_ = 	snop  }
0x3b: {  	_ = 	snop  }
0x3c: {  	p2 =	seq.s32 s10, $0x1;
	s10 =	sld [smem:$0x3FAF]  }
0x3d: {  	_ =	shalt  }
0x3e: {  	_ =	shalt  }
0x3f: {  	_ =	shalt  }
0x40: {  	_ =	shalt  }
0x41: {  	_ =	shalt  }
0x42: {  	_ =	shalt  }
0x43: {  	_ =	shalt  }
0x44: {  	_ =	shalt  }
0x45: {  	_ =	shalt  }
0x46: {  	_ =	shalt  }
0x47: {  	_ =	shalt  }
0x48: {  	_ =	shalt  }
0x49: {  	_ =	shalt  }
0x4a: {  	_ =	shalt  }
0x4b: {  	_ =	shalt  }
0x4c: {  	_ =	shalt  }
0x4d: {  	_ =	shalt  }
0x4e: {  	_ =	shalt  }
0x4f: {  	_ =	shalt  }
0x50: {  	_ =	shalt  }
0x51: {  	_ =	shalt  }
0x52: {  	_ =	shalt  }
0x53: {  	_ =	shalt  }
0x54: {  	_ =	shalt  }
0x55: {  	_ =	shalt  }
0x56: {  	_ =	shalt  }
0x57: {  	_ =	shalt  }
0x58: {  	_ =	shalt  }
0x59: {  	_ =	shalt  }
0x5a: {  	_ =	shalt  }
0x5b: {  	_ =	shalt  }
0x5c: {  	_ =	shalt  }
0x5d: {  	_ =	shalt  }
0x5e: {  	_ =	shalt  }
0x5f: {  	_ =	shalt  }
0x60: {  	_ =	shalt  }
0x61: {  	_ =	shalt  }
0x62: {  	_ =	shalt  }
0x63: {  	_ =	shalt  }
0x64: {  	_ =	shalt  }
0x65: {  	_ =	shalt  }
0x66: {  	_ =	shalt  }
0x67: {  	_ =	shalt  }
0x68: {  	_ =	shalt  }
0x69: {  	_ =	shalt  }
0x6a: {  	_ =	shalt  }
0x6b: {  	_ =	shalt  }
0x6c: {  	_ =	shalt  }
0x6d: {  	_ =	shalt  }
0x6e: {  	_ =	shalt  }
0x6f: {  	_ =	shalt  }
0x70: {  	_ =	shalt  }
0x71: {  	_ =	shalt  }
0x72: {  	_ =	shalt  }
0x73: {  	_ =	shalt  }
0x74: {  	_ =	shalt  }
0x75: {  	_ =	shalt  }
0x76: {  	_ =	shalt  }
0x77: {  	_ =	shalt  }
0x78: {  	_ =	shalt  }
0x79: {  	_ =	shalt  }
0x7a: {  	_ =	shalt  }
0x7b: {  	_ =	shalt  }
0x7c: {  	_ =	shalt  }
0x7d: {  	_ =	shalt  }
0x7e: {  	_ =	shalt  }
0x7f: {  	_ =	shalt  }
0x80: {  	_ =	shalt  }
0x81: {  	_ =	shalt  }
0x82: {  	_ =	shalt  }
0x83: {  	_ =	shalt  }
0x84: {  	_ =	shalt  }
0x85: {  	_ =	shalt  }
0x86: {  	_ =	shalt  }
0x87: {  	_ =	shalt  }
.Lfunc_end0:
.L_simem_size_0:
called_computation_lowered:
.L_overlay_start_0:
0x88: {  	s2 =	sld [smem:$0x3FD9]  }
0x89: {  	s3 =	sld [smem:$0x3FFE];
	_ =	sdelay $0x1  }
0x8a: {  	s1 =	srdreg.scid  }
0x8b: {  	s0 =	sand.u32 $0x1, s1  }
0x8c: {  	s17 =	sshll.u32 s0, $0xA;
	s2 =	sadd.s32 s3, s2  }
0x8d: {  	s2 =	sadd.s32 s2, s17  }
0x8e: {  	[smem:$0x3FBB] =	sst s2  }
0x8f: {  	_ = 	snop  }
0x90: {  	s2 =	sld [smem:$0x3FD0];
	(tm) =	ssettm $0x1  }
0x91: {  	s18 =	sld [smem:$0x3FFB];
	_ =	sdelay $0x3  }
0x92: {  	_ =	strace s18  }
0x93: {  	s3 =	sld [smem:$0x3FFC];
	_ =	sdelay $0x3  }
0x94: {  	_ =	strace s3  }
0x95: {  	s3 =	sld [smem:$0x3FFD];
	_ =	sdelay $0x3  }
0x96: {  	_ =	strace s3  }
0x97: {  	_ =	strace $0x8FFFFFFF  }
0x98: {  	s19 =	sld [smem:$0x3FDB];
	_ =	sdelay $0x1  }
0x99: {  	s4 =	simm.s32 $_scs_section_size  }
0x9a: {  	s5 =	simm.s32 $_size__tile_overlayer_lowered;
	s6 =	simm.s32 $_tile_overlayer_lowered  }
0x9b: {  	s22 =	simm.s32 $0x1BFF;
	s21 =	sshll.u32 s6, $0x1;
	s3 =	sadd.s32 s4, s19  }
0x9c: {  	s7 =	simm.s32 $0x0;
	s20 =	sshll.u32 s5, $0x1;
	s5 =	sadd.s32 s21, s3  }
0x9d: {  	[timem:s7], [sflag:s22] =	dma.local [hbm:s5], s20  }
0x9e: {  	_ =	swait.ge [sflag:s22], s20  }
0x9f: {  	s4 =	ssub.s32 $0x0, s20;
	[sflag:s22] =	ssyncset.done $0x0  }
0xa0: {  	[sflag:s22] =	ssyncadd.s32 s4;
	_ =	sdelay $0x1  }
0xa1: {  	s23 =	simm.s32 $0x1B8B  }
0xa2: {  	_ =	swait.ge [sflag:s23], $0x1  }
0xa3: {  	[sflag:s23] =	ssyncset.done $0x0  }
0xa4: {  	s25 =	simm.s32 $0x1B8E;
	s24 =	sld [smem:$0x3FFE];
	[sflag:s23] =	ssyncadd.s32 $0xFFFFFFFF  }
0xa5: {  	s26 =	simm.s32 $execute0_lowered;
	[smem:$0x3FD2] =	sst s25  }
0xa6: {  	s5 =	sshll.u32 s26, $0x1;
	_ =	strace $0x80000046;
	[dreg:$0x1] =	wrdreg $0xFFFFFFFF  }
0xa7: {  	s28 =	simm.s32 $_size_execute0_lowered;
	s3 =	sadd.s32 s3, s5;
	[dreg:$0x0] =	wrdreg $0x0  }
0xa8: {  	s5 =	sshll.u32 s28, $0x1;
	[dreg:$0x2] =	wrdreg s3  }
0xa9: {  	[dreg:$0x3] =	wrdreg s5  }
0xaa: {  	[dreg:$0x4] =	wrdreg $0xC0  }
0xab: {  	_ =	task [dreg:s7], $0x5FFFF  }
0xac: {  	[dreg:$0x1] =	wrdreg $0xFFFFFFFF  }
0xad: {  	[dreg:$0x0] =	wrdreg $0x60  }
0xae: {  	[dreg:$0x2] =	wrdreg s24  }
0xaf: {  	[dreg:$0x3] =	wrdreg s2  }
0xb0: {  	[dreg:$0x4] =	wrdreg $0x9  }
0xb1: {  	_ =	task.clear_ibuf [dreg:s7], $0x5FFFF;
	_ =	strace $0x90000046  }
0xb2: {  	s29 =	simm.s32 $0x9;
	_ =	strace $0x80000048  }
0xb3: {  	_ =	swait.ge [sflag:s29], $0x1  }
0xb4: {  	[sflag:s29] =	ssyncadd.s32 $0xFFFFFFFF  }
0xb5: {  	_ =	strace $0x90000048  }
0xb6: {  	_ =	sfence  }
0xb7: {  	s30 =	sld [smem:$0x0];
	_ =	sdelay $0x2  }
0xb8: {  	s31 =	sshll.u32 s1, $0xD;
	s1 =	sshrl.u32 s1, $0x2  }
0xb9: {  	s3 =	sand.u32 $0x4000, s31;
	s1 =	sadd.s32 s1, s30  }
0xba: {  	s0 =	sor.u32 s3, s0;
	s1 =	sshll.u32 s1, $0x11  }
0xbb: {  	s0 =	sor.u32 s1, s0  }
0xbc: {  	s0 =	sadd.s32 $0x8F2B, s0  }
0xbd: {  	[sflag:s0] =	ssyncadd.remote.s32 $0x1  }
0xbe: {  	_ =	sfence.sel $0xFFFF  }
0xbf: {  	[dreg:$0x0] =	wrdreg $0xFFFFFFFF;
	(pc) =	sbr.abs _section_cstart, $3  }
0xc0: {  	[dreg:$0x1] =	wrdreg $0xFFFFFFFF  }
0xc1: {  	_ =	task.clear_ibuf [dreg:s7], $0x2FFFF;
	_ =	strace $0x9FFFFFFF  }
0xc2: {  	(tm) =	ssettm $0x7FFFFFFF  }
0xc3: {  	_ =	shalt  }
tec
execute0_lowered:
.L_overlay_start_1:
0x0: {  	(tag) =	ssettag $0x1  }
0x1: {  	s0 =	rddreg [dreg:$0x0]  }
0x2: {  	s1 =	rddreg [dreg:$0x1];
	s3 =	simm.s32 $0x0  }
0x3: {  	s5 =	simm.s32 $0x3000;
	[smem:$0x7FF] =	sst s3  }
0x4: {  	s15 =	simm.s32 $0x3800;
	_ =	strace $0x80000047;
	[dreg:$0x3] =	wrdreg s5  }
0x5: {  	s16 =	simm.s32 $0x4000;
	[dreg:$0x4] =	wrdreg s15  }
0x6: {  	s17 =	simm.s32 $0x4800;
	[dreg:$0x5] =	wrdreg s16  }
0x7: {  	s18 =	simm.s32 $0x5000;
	[dreg:$0x6] =	wrdreg s17  }
0x8: {  	s19 =	simm.s32 $0x5800;
	[dreg:$0x7] =	wrdreg s18  }
0x9: {  	s2 =	srdreg.scid;
	s20 =	simm.s32 $0x6000;
	[dreg:$0x8] =	wrdreg s19  }
0xa: {  	s10 =	stileid.u32;
	s21 =	simm.s32 $0x6800;
	[dreg:$0x9] =	wrdreg s20  }
0xb: {  	s22 =	simm.s32 $0x7000;
	s23 =	simm.s32 $0x7800;
	[dreg:$0xa] =	wrdreg s21  }
0xc: {  	s25 =	simm.s32 $0x8000;
	s26 =	simm.s32 $0x8800;
	[dreg:$0xb] =	wrdreg s22  }
0xd: {  	s11 =	simm.s32 $0x9000;
	s12 =	simm.s32 $0x9800;
	[dreg:$0xc] =	wrdreg s23  }
0xe: {  	s14 =	simm.s32 $0xA000;
	s28 =	simm.s32 $0x7;
	[dreg:$0xd] =	wrdreg s25  }
0xf: {  	s29 =	simm.s32 $0x6;
	s30 =	simm.s32 $0x8;
	[dreg:$0xe] =	wrdreg s26  }
0x10: {  	s31 =	simm.s32 $0x0;
	s2 =	sand.u32 $0x1, s2;
	[dreg:$0xf] =	wrdreg s11  }
0x11: {  	s13 =	smul.u32 $0x28000, s10;
	s4 =	sshll.u32 s2, $0x4;
	[dreg:$0x10] =	wrdreg s12  }
0x12: {  	s7 =	smul.u32 $0x280000, s2;
	[dreg:$0x11] =	wrdreg s14;
	s15 =	simm.s32 $0xB000  }
0x13: {  	s8 =	smul.u32 $0x140000, s2;
	s17 =	simm.s32 $0xB800;
	[dreg:$0x12] =	wrdreg s15  }
0x14: {  	s2 =	ssub.s32 $0x2, s2;
	s19 =	simm.s32 $0xC000;
	[dreg:$0x13] =	wrdreg s17  }
0x15: {  	s18 =	smul.u32 $0x14000, s10;
	s20 =	simm.s32 $0xC800;
	[dreg:$0x14] =	wrdreg s19  }
0x16: {  	s21 =	simm.s32 $0xD000;
	s22 =	simm.s32 $0xD800;
	[dreg:$0x15] =	wrdreg s20  }
0x17: {  	s23 =	simm.s32 $0xE000;
	s12 =	simm.s32 $0x2800;
	[dreg:$0x16] =	wrdreg s21  }
0x18: {  	s25 =	simm.s32 $0xF000;
	s26 =	simm.s32 $0xF800;
	[dreg:$0x17] =	wrdreg s22  }
0x19: {  	s14 =	simm.s32 $0x12800;
	s4 =	sor.u32 s10, s4;
	[dreg:$0x18] =	wrdreg s23  }
0x1a: {  	s24 =	sshrl.u32 s2, $0x1;
	s10 =	simm.s32 $0x9;
	[dreg:$0x1a] =	wrdreg s25  }
0x1b: {  	s15 =	simm.s32 $0xA800;
	[dreg:$0x1b] =	wrdreg s26;
	s17 =	simm.s32 $0x10800  }
0x1c: {  	s19 =	simm.s32 $0x11800;
	s20 =	simm.s32 $0x12000;
	s21 =	simm.s32 $0x16800  }
0x1d: {  	s22 =	simm.s32 $0x1;
	s23 =	simm.s32 $0x3;
	s25 =	simm.s32 $0x4  }
0x1e: {  	s26 =	simm.s32 $0x5;
	s6 =	smul.u32 $0x1400, s4;
	s4 =	sadd.s32 $0xD000, s0  }
0x1f: {  	s9 =	sadd.s32 s7, s0;
	s2 =	ssub.s32 s2, s24;
	s24 =	simm.s32 $0xE800  }
0x20: {  	s2 =	smax.u32 s2, $0x1;
	s16 =	sadd.s32 s13, s9;
	[dreg:$0x19] =	wrdreg s24  }
0x21: {  	s13 =	simm.s32 $0x80;
	s24 =	simm.s32 $0x2;
	s6 =	sshrl.u32 s6, $0x3  }
0x22: {  	[dreg:$0x1e] =	wrdreg s2;
	s2 =	sadd.s32 $0x5B200, s16;
	s6 =	sadd.s32 s6, s0  }
0x23: {  	v2 =	vlaneseq.u32;
	s16 =	simm.s32 $0x10000;
	s0 =	sadd.s32 s8, s0;
	s8 =	sadd.s32 $0x8000, s6  }
0x24: {  	vm0 =	vmmov $0xffff;
	v1 =	vshrl.u32 v2, $0x3;
	s6 =	sadd.s32 $0x3000, s6;
	s0 =	sadd.s32 s18, s0;
	[dreg:$0x1c] =	wrdreg s8  }
0x25: {  	v0 =	vand.u32 $0x7, v2;
	v2 =	vor.u32 $0x8, v2;
	v1 =	vmul.u32 $0x8, v1;
	s18 =	simm.s32 $0x11000;
	[dreg:$0x1d] =	wrdreg s6;
	s0 =	sadd.s32 $0x55B200, s0  }
.LBB2_1:
0x26: {  	s5 =	rddreg [dreg:$0x1c]  }
0x27: {  	[tilespmem:s3], [sflag:$0x9] =	stream.linear.gather [hbm4b:s5+s3], $0x1400, $0x38;
	[tilespmem:$0x1A800] =	vst v63  }
0x28: {  	_ =	swait.ge [sflag:s10], $0x1400  }
0x29: {  	[sflag:s10] =	ssyncset.done $0x0  }
0x2a: {  	s6 =	simm.s32 $0x1400;
	s11 =	rddreg [dreg:$0x1d];
	[sflag:s10] =	ssyncadd.s32 $0xFFFFEC00  }
0x2b: {  	[tilespmem:s6], [sflag:$0x9] =	stream.linear.gather [hbm4b:s11+s3], $0x1400, $0x38;
	[tilespmem:$0x1A800] =	vst v63  }
0x2c: {  	_ =	swait.ge [sflag:s10], $0x1400  }
0x2d: {  	s9 =	smov.u32 s0;
	[sflag:s10] =	ssyncset.done $0x0  }
0x2e: {  	s8 =	smov.u32 s2;
	s11 =	simm.s32 $0x0;
	[sflag:s10] =	ssyncadd.s32 $0xFFFFEC00  }
.LBB2_2:
0x2f: {  	s5 =	sshra.s32 s11, $0x2  }
0x30: {  	v3 =	vld [tilespmem:s5+$0x0];
	_ =	sdelay $0x4  }
0x31: {  	v4 =	vshll.u32 v3, $0x1  }
0x32: {  	v3 =	vand.u32 $0x7, v3;
	v4 =	vand.u32 $0xFFFFFFF0, v4  }
0x33: {  	v3 =	vor.u32 v3, v4  }
0x34: {  	v4 =	vperm.xlane v3, v0;
	_ =	sdelay $0x1  }
0x35: {  	v3 =	vperm.xlane v3, v2;
	v4 =	vadd.s32 v1, v4;
	_ =	sdelay $0x1  }
0x36: {  	v3 =	vadd.s32 v1, v3;
	_ =	sdelay $0x2  }
0x37: {  	[tilespmem:s12], [sflag:$0x1] =	stream.indirect_vreg.gather [hbm4b:s4+s3], $0x80, v4, vm0, $0xb8;
	[tilespmem:$0x1A800] =	vst v63  }
0x38: {  	s6 =	rddreg [dreg:$0x3]  }
0x39: {  	[tilespmem:s6], [sflag:$0x1] =	stream.indirect_vreg.gather [hbm4b:s4+s3], $0x80, v3, vm0, $0xb8;
	[tilespmem:$0x1A800] =	vst v63  }
0x3a: {  	v3 =	vld [tilespmem:s5+$0x10];
	_ =	sdelay $0x4  }
0x3b: {  	v49 =	vshll.u32 v3, $0x1  }
0x3c: {  	v3 =	vand.u32 $0x7, v3;
	v4 =	vand.u32 $0xFFFFFFF0, v49  }
0x3d: {  	v3 =	vor.u32 v3, v4  }
0x3e: {  	v4 =	vperm.xlane v3, v0;
	_ =	sdelay $0x1  }
0x3f: {  	v3 =	vperm.xlane v3, v2;
	v4 =	vadd.s32 v1, v4;
	_ =	sdelay $0x1  }
0x40: {  	v3 =	vadd.s32 v1, v3;
	_ =	sdelay $0x1  }
0x41: {  	s6 =	rddreg [dreg:$0x4]  }
0x42: {  	[tilespmem:s6], [sflag:$0x1] =	stream.indirect_vreg.gather [hbm4b:s4+s3], $0x80, v4, vm0, $0xb8;
	[tilespmem:$0x1A800] =	vst v63  }
0x43: {  	s7 =	rddreg [dreg:$0x5]  }
0x44: {  	[tilespmem:s7], [sflag:$0x1] =	stream.indirect_vreg.gather [hbm4b:s4+s3], $0x80, v3, vm0, $0xb8;
	[tilespmem:$0x1A800] =	vst v63  }
0x45: {  	v3 =	vld [tilespmem:s5+$0x20];
	_ =	sdelay $0x4  }
0x46: {  	v50 =	vshll.u32 v3, $0x1  }
0x47: {  	v3 =	vand.u32 $0x7, v3;
	v4 =	vand.u32 $0xFFFFFFF0, v50  }
0x48: {  	v3 =	vor.u32 v3, v4  }
0x49: {  	v4 =	vperm.xlane v3, v0;
	_ =	sdelay $0x1  }
0x4a: {  	v3 =	vperm.xlane v3, v2;
	v4 =	vadd.s32 v1, v4;
	_ =	sdelay $0x1  }
0x4b: {  	v3 =	vadd.s32 v1, v3;
	_ =	sdelay $0x1  }
0x4c: {  	s6 =	rddreg [dreg:$0x6]  }
0x4d: {  	[tilespmem:s6], [sflag:$0x1] =	stream.indirect_vreg.gather [hbm4b:s4+s3], $0x80, v4, vm0, $0xb8;
	[tilespmem:$0x1A800] =	vst v63  }
0x4e: {  	s7 =	rddreg [dreg:$0x7]  }
0x4f: {  	[tilespmem:s7], [sflag:$0x1] =	stream.indirect_vreg.gather [hbm4b:s4+s3], $0x80, v3, vm0, $0xb8;
	[tilespmem:$0x1A800] =	vst v63  }
0x50: {  	v3 =	vld [tilespmem:s5+$0x30];
	_ =	sdelay $0x4  }
0x51: {  	v51 =	vshll.u32 v3, $0x1  }
0x52: {  	v3 =	vand.u32 $0x7, v3;
	v4 =	vand.u32 $0xFFFFFFF0, v51  }
0x53: {  	v3 =	vor.u32 v3, v4  }
0x54: {  	v4 =	vperm.xlane v3, v0;
	_ =	sdelay $0x1  }
0x55: {  	v3 =	vperm.xlane v3, v2;
	v4 =	vadd.s32 v1, v4;
	_ =	sdelay $0x1  }
0x56: {  	v3 =	vadd.s32 v1, v3;
	_ =	sdelay $0x1  }
0x57: {  	s6 =	rddreg [dreg:$0x8]  }
0x58: {  	[tilespmem:s6], [sflag:$0x1] =	stream.indirect_vreg.gather [hbm4b:s4+s3], $0x80, v4, vm0, $0xb8;
	[tilespmem:$0x1A800] =	vst v63  }
0x59: {  	s7 =	rddreg [dreg:$0x9]  }
0x5a: {  	[tilespmem:s7], [sflag:$0x1] =	stream.indirect_vreg.gather [hbm4b:s4+s3], $0x80, v3, vm0, $0xb8;
	[tilespmem:$0x1A800] =	vst v63  }
0x5b: {  	v3 =	vld [tilespmem:s5+$0x40];
	_ =	sdelay $0x4  }
0x5c: {  	v52 =	vshll.u32 v3, $0x1  }
0x5d: {  	v3 =	vand.u32 $0x7, v3;
	v4 =	vand.u32 $0xFFFFFFF0, v52  }
0x5e: {  	v3 =	vor.u32 v3, v4  }
0x5f: {  	v4 =	vperm.xlane v3, v0;
	_ =	sdelay $0x1  }
0x60: {  	v3 =	vperm.xlane v3, v2;
	v4 =	vadd.s32 v1, v4;
	_ =	sdelay $0x1  }
0x61: {  	v3 =	vadd.s32 v1, v3;
	_ =	sdelay $0x1  }
0x62: {  	s6 =	rddreg [dreg:$0xa]  }
0x63: {  	[tilespmem:s6], [sflag:$0x1] =	stream.indirect_vreg.gather [hbm4b:s4+s3], $0x80, v4, vm0, $0xb8;
	[tilespmem:$0x1A800] =	vst v63  }
0x64: {  	s7 =	rddreg [dreg:$0xb]  }
0x65: {  	[tilespmem:s7], [sflag:$0x1] =	stream.indirect_vreg.gather [hbm4b:s4+s3], $0x80, v3, vm0, $0xb8;
	[tilespmem:$0x1A800] =	vst v63  }
0x66: {  	v3 =	vld [tilespmem:s5+$0x50];
	_ =	sdelay $0x4  }
0x67: {  	v53 =	vshll.u32 v3, $0x1  }
0x68: {  	v3 =	vand.u32 $0x7, v3;
	v4 =	vand.u32 $0xFFFFFFF0, v53  }
0x69: {  	v3 =	vor.u32 v3, v4  }
0x6a: {  	v4 =	vperm.xlane v3, v0;
	_ =	sdelay $0x1  }
0x6b: {  	v3 =	vperm.xlane v3, v2;
	v4 =	vadd.s32 v1, v4;
	_ =	sdelay $0x1  }
0x6c: {  	v3 =	vadd.s32 v1, v3;
	_ =	sdelay $0x1  }
0x6d: {  	s6 =	rddreg [dreg:$0xc]  }
0x6e: {  	[tilespmem:s6], [sflag:$0x1] =	stream.indirect_vreg.gather [hbm4b:s4+s3], $0x80, v4, vm0, $0xb8;
	[tilespmem:$0x1A800] =	vst v63  }
0x6f: {  	s7 =	rddreg [dreg:$0xd]  }
0x70: {  	[tilespmem:s7], [sflag:$0x1] =	stream.indirect_vreg.gather [hbm4b:s4+s3], $0x80, v3, vm0, $0xb8;
	[tilespmem:$0x1A800] =	vst v63  }
0x71: {  	v3 =	vld [tilespmem:s5+$0x60];
	_ =	sdelay $0x4  }
0x72: {  	v54 =	vshll.u32 v3, $0x1  }
0x73: {  	v3 =	vand.u32 $0x7, v3;
	v4 =	vand.u32 $0xFFFFFFF0, v54  }
0x74: {  	v3 =	vor.u32 v3, v4  }
0x75: {  	v4 =	vperm.xlane v3, v0;
	_ =	sdelay $0x1  }
0x76: {  	v3 =	vperm.xlane v3, v2;
	v4 =	vadd.s32 v1, v4;
	_ =	sdelay $0x1  }
0x77: {  	v3 =	vadd.s32 v1, v3;
	_ =	sdelay $0x1  }
0x78: {  	s6 =	rddreg [dreg:$0xe]  }
0x79: {  	[tilespmem:s6], [sflag:$0x1] =	stream.indirect_vreg.gather [hbm4b:s4+s3], $0x80, v4, vm0, $0xb8;
	[tilespmem:$0x1A800] =	vst v63  }
0x7a: {  	s7 =	rddreg [dreg:$0xf]  }
0x7b: {  	[tilespmem:s7], [sflag:$0x1] =	stream.indirect_vreg.gather [hbm4b:s4+s3], $0x80, v3, vm0, $0xb8;
	[tilespmem:$0x1A800] =	vst v63  }
0x7c: {  	v3 =	vld [tilespmem:s5+$0x70];
	_ =	sdelay $0x4  }
0x7d: {  	v55 =	vshll.u32 v3, $0x1  }
0x7e: {  	v3 =	vand.u32 $0x7, v3;
	v4 =	vand.u32 $0xFFFFFFF0, v55  }
0x7f: {  	v3 =	vor.u32 v3, v4  }
0x80: {  	v4 =	vperm.xlane v3, v0;
	_ =	sdelay $0x1  }
0x81: {  	v3 =	vperm.xlane v3, v2;
	v4 =	vadd.s32 v1, v4;
	_ =	sdelay $0x1  }
0x82: {  	v3 =	vadd.s32 v1, v3;
	_ =	sdelay $0x1  }
0x83: {  	s6 =	rddreg [dreg:$0x10]  }
0x84: {  	[tilespmem:s6], [sflag:$0x1] =	stream.indirect_vreg.gather [hbm4b:s4+s3], $0x80, v4, vm0, $0xb8;
	[tilespmem:$0x1A800] =	vst v63  }
0x85: {  	s7 =	rddreg [dreg:$0x11]  }
0x86: {  	[tilespmem:s7], [sflag:$0x1] =	stream.indirect_vreg.gather [hbm4b:s4+s3], $0x80, v3, vm0, $0xb8;
	[tilespmem:$0x1A800] =	vst v63  }
0x87: {  	s7 =	sadd.s32 $0x1400, s5  }
0x88: {  	[tilespmem:s14], [sflag:$0x3] =	stream.indirect.gather [hbm4b:s1+s13], $0x80, s7, s13, $0xb8;
	[tilespmem:$0x1A800] =	vst v63  }
0x89: {  	v3 =	vld [tilespmem:s5+$0x80];
	_ =	sdelay $0x4  }
0x8a: {  	v56 =	vshll.u32 v3, $0x1  }
0x8b: {  	v3 =	vand.u32 $0x7, v3;
	v4 =	vand.u32 $0xFFFFFFF0, v56  }
0x8c: {  	v3 =	vor.u32 v3, v4  }
0x8d: {  	v4 =	vperm.xlane v3, v0;
	_ =	sdelay $0x1  }
0x8e: {  	v3 =	vperm.xlane v3, v2;
	v4 =	vadd.s32 v1, v4;
	_ =	sdelay $0x1  }
0x8f: {  	v3 =	vadd.s32 v1, v3;
	_ =	sdelay $0x2  }
0x90: {  	[tilespmem:s15], [sflag:$0x2] =	stream.indirect_vreg.gather [hbm4b:s4+s3], $0x80, v4, vm0, $0xb8;
	[tilespmem:$0x1A800] =	vst v63  }
0x91: {  	s7 =	rddreg [dreg:$0x12]  }
0x92: {  	[tilespmem:s7], [sflag:$0x2] =	stream.indirect_vreg.gather [hbm4b:s4+s3], $0x80, v3, vm0, $0xb8;
	[tilespmem:$0x1A800] =	vst v63  }
0x93: {  	v3 =	vld [tilespmem:s5+$0x90];
	_ =	sdelay $0x4  }
0x94: {  	v57 =	vshll.u32 v3, $0x1  }
0x95: {  	v3 =	vand.u32 $0x7, v3;
	v4 =	vand.u32 $0xFFFFFFF0, v57  }
0x96: {  	v3 =	vor.u32 v3, v4  }
0x97: {  	v4 =	vperm.xlane v3, v0;
	_ =	sdelay $0x1  }
0x98: {  	v3 =	vperm.xlane v3, v2;
	v4 =	vadd.s32 v1, v4;
	_ =	sdelay $0x1  }
0x99: {  	v3 =	vadd.s32 v1, v3;
	_ =	sdelay $0x1  }
0x9a: {  	s6 =	rddreg [dreg:$0x13]  }
0x9b: {  	[tilespmem:s6], [sflag:$0x2] =	stream.indirect_vreg.gather [hbm4b:s4+s3], $0x80, v4, vm0, $0xb8;
	[tilespmem:$0x1A800] =	vst v63  }
0x9c: {  	s7 =	rddreg [dreg:$0x14]  }
0x9d: {  	[tilespmem:s7], [sflag:$0x2] =	stream.indirect_vreg.gather [hbm4b:s4+s3], $0x80, v3, vm0, $0xb8;
	[tilespmem:$0x1A800] =	vst v63  }
0x9e: {  	v3 =	vld [tilespmem:s5+$0xA0];
	_ =	sdelay $0x4  }
0x9f: {  	v58 =	vshll.u32 v3, $0x1  }
0xa0: {  	v3 =	vand.u32 $0x7, v3;
	v4 =	vand.u32 $0xFFFFFFF0, v58  }
0xa1: {  	v3 =	vor.u32 v3, v4  }
0xa2: {  	v4 =	vperm.xlane v3, v0;
	_ =	sdelay $0x1  }
0xa3: {  	v3 =	vperm.xlane v3, v2;
	v4 =	vadd.s32 v1, v4;
	_ =	sdelay $0x1  }
0xa4: {  	v3 =	vadd.s32 v1, v3;
	_ =	sdelay $0x1  }
0xa5: {  	s6 =	rddreg [dreg:$0x15]  }
0xa6: {  	[tilespmem:s6], [sflag:$0x2] =	stream.indirect_vreg.gather [hbm4b:s4+s3], $0x80, v4, vm0, $0xb8;
	[tilespmem:$0x1A800] =	vst v63  }
0xa7: {  	s7 =	rddreg [dreg:$0x16]  }
0xa8: {  	[tilespmem:s7], [sflag:$0x2] =	stream.indirect_vreg.gather [hbm4b:s4+s3], $0x80, v3, vm0, $0xb8;
	[tilespmem:$0x1A800] =	vst v63  }
0xa9: {  	v3 =	vld [tilespmem:s5+$0xB0];
	_ =	sdelay $0x4  }
0xaa: {  	v59 =	vshll.u32 v3, $0x1  }
0xab: {  	v3 =	vand.u32 $0x7, v3;
	v4 =	vand.u32 $0xFFFFFFF0, v59  }
0xac: {  	v3 =	vor.u32 v3, v4  }
0xad: {  	v4 =	vperm.xlane v3, v0;
	_ =	sdelay $0x1  }
0xae: {  	v3 =	vperm.xlane v3, v2;
	v4 =	vadd.s32 v1, v4;
	_ =	sdelay $0x1  }
0xaf: {  	v3 =	vadd.s32 v1, v3;
	_ =	sdelay $0x1  }
0xb0: {  	s6 =	rddreg [dreg:$0x17]  }
0xb1: {  	[tilespmem:s6], [sflag:$0x2] =	stream.indirect_vreg.gather [hbm4b:s4+s3], $0x80, v4, vm0, $0xb8;
	[tilespmem:$0x1A800] =	vst v63  }
0xb2: {  	s7 =	rddreg [dreg:$0x18]  }
0xb3: {  	[tilespmem:s7], [sflag:$0x2] =	stream.indirect_vreg.gather [hbm4b:s4+s3], $0x80, v3, vm0, $0xb8;
	[tilespmem:$0x1A800] =	vst v63  }
0xb4: {  	v3 =	vld [tilespmem:s5+$0xC0];
	_ =	sdelay $0x4  }
0xb5: {  	v60 =	vshll.u32 v3, $0x1  }
0xb6: {  	v3 =	vand.u32 $0x7, v3;
	v4 =	vand.u32 $0xFFFFFFF0, v60  }
0xb7: {  	v3 =	vor.u32 v3, v4  }
0xb8: {  	v4 =	vperm.xlane v3, v0;
	_ =	sdelay $0x1  }
0xb9: {  	v3 =	vperm.xlane v3, v2;
	v4 =	vadd.s32 v1, v4;
	_ =	sdelay $0x1  }
0xba: {  	v3 =	vadd.s32 v1, v3;
	_ =	sdelay $0x1  }
0xbb: {  	s6 =	rddreg [dreg:$0x19]  }
0xbc: {  	[tilespmem:s6], [sflag:$0x2] =	stream.indirect_vreg.gather [hbm4b:s4+s3], $0x80, v4, vm0, $0xb8;
	[tilespmem:$0x1A800] =	vst v63  }
0xbd: {  	s7 =	rddreg [dreg:$0x1a]  }
0xbe: {  	[tilespmem:s7], [sflag:$0x2] =	stream.indirect_vreg.gather [hbm4b:s4+s3], $0x80, v3, vm0, $0xb8;
	[tilespmem:$0x1A800] =	vst v63  }
0xbf: {  	v3 =	vld [tilespmem:s5+$0xD0];
	_ =	sdelay $0x4  }
0xc0: {  	v61 =	vshll.u32 v3, $0x1  }
0xc1: {  	v3 =	vand.u32 $0x7, v3;
	v4 =	vand.u32 $0xFFFFFFF0, v61  }
0xc2: {  	v3 =	vor.u32 v3, v4  }
0xc3: {  	v4 =	vperm.xlane v3, v0;
	_ =	sdelay $0x1  }
0xc4: {  	v3 =	vperm.xlane v3, v2;
	v4 =	vadd.s32 v1, v4;
	_ =	sdelay $0x1  }
0xc5: {  	v3 =	vadd.s32 v1, v3;
	_ =	sdelay $0x1  }
0xc6: {  	s7 =	rddreg [dreg:$0x1b]  }
0xc7: {  	[tilespmem:s7], [sflag:$0x2] =	stream.indirect_vreg.gather [hbm4b:s4+s3], $0x80, v4, vm0, $0xb8;
	[tilespmem:$0x1A800] =	vst v63  }
0xc8: {  	_ = 	snop  }
0xc9: {  	[tilespmem:s16], [sflag:$0x2] =	stream.indirect_vreg.gather [hbm4b:s4+s3], $0x80, v3, vm0, $0xb8;
	[tilespmem:$0x1A800] =	vst v63  }
0xca: {  	v3 =	vld [tilespmem:s5+$0xE0];
	_ =	sdelay $0x4  }
0xcb: {  	v62 =	vshll.u32 v3, $0x1  }
0xcc: {  	v3 =	vand.u32 $0x7, v3;
	v4 =	vand.u32 $0xFFFFFFF0, v62  }
0xcd: {  	v3 =	vor.u32 v3, v4  }
0xce: {  	v4 =	vperm.xlane v3, v0;
	_ =	sdelay $0x1  }
0xcf: {  	v3 =	vperm.xlane v3, v2;
	v4 =	vadd.s32 v1, v4;
	_ =	sdelay $0x1  }
0xd0: {  	v3 =	vadd.s32 v1, v3;
	_ =	sdelay $0x2  }
0xd1: {  	[tilespmem:s17], [sflag:$0x2] =	stream.indirect_vreg.gather [hbm4b:s4+s3], $0x80, v4, vm0, $0xb8;
	[tilespmem:$0x1A800] =	vst v63  }
0xd2: {  	_ = 	snop  }
0xd3: {  	[tilespmem:s18], [sflag:$0x2] =	stream.indirect_vreg.gather [hbm4b:s4+s3], $0x80, v3, vm0, $0xb8;
	[tilespmem:$0x1A800] =	vst v63  }
0xd4: {  	v3 =	vld [tilespmem:s5+$0xF0];
	_ =	sdelay $0x4  }
0xd5: {  	v63 =	vshll.u32 v3, $0x1  }
0xd6: {  	v3 =	vand.u32 $0x7, v3;
	v4 =	vand.u32 $0xFFFFFFF0, v63  }
0xd7: {  	v3 =	vor.u32 v3, v4  }
0xd8: {  	v4 =	vperm.xlane v3, v0;
	_ =	sdelay $0x1  }
0xd9: {  	v3 =	vperm.xlane v3, v2;
	v4 =	vadd.s32 v1, v4;
	_ =	sdelay $0x1  }
0xda: {  	v3 =	vadd.s32 v1, v3;
	_ =	sdelay $0x2  }
0xdb: {  	[tilespmem:s19], [sflag:$0x2] =	stream.indirect_vreg.gather [hbm4b:s4+s3], $0x80, v4, vm0, $0xb8;
	[tilespmem:$0x1A800] =	vst v63  }
0xdc: {  	_ = 	snop  }
0xdd: {  	[tilespmem:s20], [sflag:$0x2] =	stream.indirect_vreg.gather [hbm4b:s4+s3], $0x80, v3, vm0, $0xb8;
	[tilespmem:$0x1A800] =	vst v63  }
0xde: {  	s5 =	sadd.s32 $0x1480, s5  }
0xdf: {  	[tilespmem:s21], [sflag:$0x4] =	stream.indirect.gather [hbm4b:s1+s13], $0x80, s5, s13, $0xb8;
	[tilespmem:$0x1A800] =	vst v63  }
0xe0: {  	_ =	swait.ge [sflag:s22], $0x8000  }
0xe1: {  	[sflag:s22] =	ssyncset.done $0x0  }
0xe2: {  	[sflag:s22] =	ssyncadd.s32 $0xFFFF8000  }
0xe3: {  	[hbm4b:s8+s3] =	stream.linear.scatter [tilespmem:s12], [sflag:$0x5], $0x8000, $0x38;
	[tilespmem:$0x1A800] =	vst v63  }
0xe4: {  	_ =	swait.ge [sflag:s23], $0x4000  }
0xe5: {  	[sflag:s23] =	ssyncset.done $0x0  }
0xe6: {  	[sflag:s23] =	ssyncadd.s32 $0xFFFFC000  }
0xe7: {  	[hbm4b:s9+s3] =	stream.linear.scatter [tilespmem:s14], [sflag:$0x7], $0x4000, $0x38;
	[tilespmem:$0x1A800] =	vst v63  }
0xe8: {  	_ =	swait.ge [sflag:s24], $0x8000  }
0xe9: {  	[sflag:s24] =	ssyncset.done $0x0  }
0xea: {  	s6 =	sadd.s32 $0x1000, s8;
	[sflag:s24] =	ssyncadd.s32 $0xFFFF8000  }
0xeb: {  	[hbm4b:s6+s3] =	stream.linear.scatter [tilespmem:s15], [sflag:$0x6], $0x8000, $0x38;
	[tilespmem:$0x1A800] =	vst v63  }
0xec: {  	_ =	swait.ge [sflag:s25], $0x4000  }
0xed: {  	[sflag:s25] =	ssyncset.done $0x0  }
0xee: {  	s7 =	sadd.s32 $0x800, s9;
	[sflag:s25] =	ssyncadd.s32 $0xFFFFC000  }
0xef: {  	[hbm4b:s7+s3] =	stream.linear.scatter [tilespmem:s21], [sflag:$0x8], $0x4000, $0x38;
	[tilespmem:$0x1A800] =	vst v63  }
0xf0: {  	_ =	swait.ge [sflag:s26], $0x8000  }
0xf1: {  	[sflag:s26] =	ssyncset.done $0x0  }
0xf2: {  	[sflag:s26] =	ssyncadd.s32 $0xFFFF8000  }
0xf3: {  	_ =	swait.ge [sflag:s28], $0x4000  }
0xf4: {  	[sflag:s28] =	ssyncset.done $0x0  }
0xf5: {  	[sflag:s28] =	ssyncadd.s32 $0xFFFFC000  }
0xf6: {  	p0 =	sne.s32 s11, $0x4C00;
	_ =	swait.ge [sflag:s29], $0x8000  }
.Ltmp0:
0xf7: {  	[sflag:s29] =	ssyncset.done $0x0;
	(pc) =	sbr.rel @p0 .LBB2_2-.Ltmp0, $4  }
0xf8: {  	[sflag:s29] =	ssyncadd.s32 $0xFFFF8000  }
0xf9: {  	_ =	swait.ge [sflag:s30], $0x4000  }
0xfa: {  	s11 =	sadd.s32 $0x400, s11;
	[sflag:s30] =	ssyncset.done $0x0  }
0xfb: {  	s8 =	sadd.s32 $0x2000, s8;
	s9 =	sadd.s32 $0x1000, s9;
	[sflag:s30] =	ssyncadd.s32 $0xFFFFC000  }
0xfc: {  	s31 =	sadd.s32 $0x1, s31;
	s5 =	rddreg [dreg:$0x1e]  }
0xfd: {  	p0 =	sne.s32 s31, s5  }
.Ltmp1:
0xfe: {  	_ = 	snop;
	(pc) =	sbr.rel @p0 .LBB2_1-.Ltmp1, $1  }
0xff: {  	_ =	sdelay $0x3  }
0x100: {  	_ =	sfence.sel $0x180000  }
0x101: {  	[bflag:$0x0] =	sbarrier.arrive $0xFFFF  }
0x102: {  	_ =	strace $0x90000047  }
0x103: {  	s0 =	stileid.u32;
	[bflag:$0x2] =	sbarrier.arrive $0xFFFF  }
0x104: {  	p0 =	sne.s32 s0, $0x0;
	s0 =	rddreg [dreg:$0x2]  }
0x105: {  	s0 =	sadd.s32 @!p0 $0x100000, s0  }
0x106: {  	[sflag:s0] =	ssyncadd.tile.s32 @!p0 $0x1;
	_ =	shalt  }
.Lfunc_end2:
_tile_overlayer_lowered:
.L_overlay_start_2:
0x107: {  	(tag) =	ssettag $0x2  }
0x108: {  	s0 =	rddreg [dreg:$0x0];
	s2 =	stileid.u32  }
0x109: {  	s1 =	rddreg [dreg:$0x1];
	p0 =	sne.s32 s2, $0x0  }
0x10a: {  	s3 =	rddreg [dreg:$0x2];
	[bflag:$0x3] =	sbarrier.arrive $0xFFFF;
	s2 =	simm.s32 @!p0 $0x1C09  }
0x10b: {  	[timem:s3], [sflag:s2] =	dma.local @!p0 [hbm:s0], s1  }
0x10c: {  	s0 =	simm.s32 @!p0 $0x9  }
0x10d: {  	_ =	swait.ge @!p0 [sflag:s0], s1  }
0x10e: {  	s1 =	ssub.s32 @!p0 $0x0, s1;
	[sflag:s0] =	ssyncset.done @!p0 $0x0  }
0x10f: {  	[sflag:s0] =	ssyncadd.s32 @!p0 s1  }
0x110: {  	[bflag:$0x3] =	sbarrier.arrive $0xFFFF  }
0x111: {  	_ =	shalt  }

</sc_bundles>
